<compile_context>
chip_gen: v7x
topology: tpu7x:2x2x1
jax: 0.10.2.dev20260603
libtpu: 0.0.44.dev20260713+nightly
codegen_flags: <defaults>
</compile_context>

<pallas_src>
import jax
import jax.numpy as jnp
from jax import lax
from jax.experimental import pallas as pl
from jax.experimental.pallas import tpu as pltpu
from jax.experimental.pallas import tpu_sc as plsc

N = 10000
NP = 10240
E = 160000
DIN = 256
HD = 128
H = 512
OUT = 40
NG = 64
NSUB = 16
EPS = E // NSUB
CH = 80
NCH = EPS // CH
RPS = NP // NSUB
CW = NP * NG
CPS = CW // NSUB
BLK = 2048
GRID = NP // BLK

_SC_PARAMS = pltpu.CompilerParams(needs_layout_passes=False)


def _sc_agg_body(x2_hbm, srcf_hbm, dst_hbm, agg_hbm,
                 src_v, dst_v, rows0_v, rows1_v, agg_sh,
                 gsem0, gsem1, ssem0, ssem1):
    c = lax.axis_index("c")
    s = lax.axis_index("s")

    pltpu.sync_copy(srcf_hbm.at[s], src_v)
    pltpu.sync_copy(dst_hbm.at[s], dst_v)
    pltpu.sync_copy(x2_hbm.at[pl.ds(c * NP + s * RPS, RPS), :],
                    agg_sh.at[pl.ds(s * RPS, RPS), :])

    @pl.when(c == 1)
    def _():
        def build(r, carry):
            sl = pl.ds(r * 16, 16)
            src_v[sl] = src_v[sl] + NP
            return carry
        lax.fori_loop(0, EPS // 16, build, 0)

    plsc.subcore_barrier()

    def gather(j, buf, sem):
        pltpu.async_copy(x2_hbm.at[src_v.at[pl.ds(j * CH, CH)]], buf, sem)

    def gwait(buf, sem):
        pltpu.make_async_copy(x2_hbm.at[pl.ds(0, CH), :], buf, sem).wait()

    def sfire(j, buf, sem):
        pltpu.async_copy(buf, agg_sh.at[dst_v.at[j]], sem, add=True)

    def swait(buf, sem):
        pltpu.make_async_copy(x2_hbm.at[pl.ds(0, CH), :], buf, sem).wait()

    gather(0, rows0_v, gsem0)
    gather(1, rows1_v, gsem1)

    def step(t, carry):
        j0 = 2 * t
        gwait(rows0_v, gsem0)
        sfire(j0, rows0_v, ssem0)
        gwait(rows1_v, gsem1)
        sfire(j0 + 1, rows1_v, ssem1)
        swait(rows0_v, ssem0)
        gather(j0 + 2, rows0_v, gsem0)
        swait(rows1_v, ssem1)

        @pl.when(j0 + 3 < NCH)
        def _():
            gather(j0 + 3, rows1_v, gsem1)
        return carry

    lax.fori_loop(0, (NCH - 1) // 2, step, 0)
    gwait(rows0_v, gsem0)
    sfire(NCH - 1, rows0_v, ssem0)
    swait(rows0_v, ssem0)
    plsc.subcore_barrier()

    pltpu.sync_copy(agg_sh.at[pl.ds(s * RPS, RPS), :],
                    agg_hbm.at[pl.ds(c * NP + s * RPS, RPS), :])


_sc_agg = pl.kernel(
    _sc_agg_body,
    mesh=plsc.VectorSubcoreMesh(core_axis_name="c", subcore_axis_name="s"),
    compiler_params=_SC_PARAMS,
    out_type=[jax.ShapeDtypeStruct((2 * NP, HD), jnp.float32)],
    scratch_types=[
        pltpu.VMEM((EPS,), jnp.int32),
        pltpu.VMEM((NCH, CH), jnp.int32),
        pltpu.VMEM((CH, HD), jnp.float32),
        pltpu.VMEM((CH, HD), jnp.float32),
        pltpu.VMEM_SHARED((NP, HD), jnp.float32),
        pltpu.SemaphoreType.DMA,
        pltpu.SemaphoreType.DMA,
        pltpu.SemaphoreType.DMA,
        pltpu.SemaphoreType.DMA,
    ],
)


def _sc_cnt_body(src_hbm, dst_hbm, ea0_hbm, ea1_hbm, ea2_hbm, batch_hbm,
                 znp_hbm,
                 cnt_hbm, e0_hbm, e1_hbm, e2_hbm,
                 src_v, dst_v, batch_v, ea0_v, ea1_v, ea2_v, ones_v, zb_v,
                 c_sh, e0_sh, e1_sh, e2_sh, ssem):
    c = lax.axis_index("c")
    s = lax.axis_index("s")

    pltpu.sync_copy(src_hbm.at[s], src_v)
    pltpu.sync_copy(dst_hbm.at[s], dst_v)

    @pl.when(c == 0)
    def _():
        pltpu.sync_copy(batch_hbm, batch_v)

        def zfill(k, carry):
            zb_v[pl.ds(k * 16, 16)] = jnp.zeros((16,), jnp.float32)
            return carry
        lax.fori_loop(0, 2560 // 16, zfill, 0)

        def zout(k, carry):
            pltpu.sync_copy(zb_v, c_sh.at[pl.ds(s * CPS + k * 2560, 2560)])
            return carry
        lax.fori_loop(0, CPS // 2560, zout, 0)
        for k in range(CH // 16):
            ones_v[pl.ds(k * 16, 16)] = jnp.ones((16,), jnp.float32)

    @pl.when(c == 1)
    def _():
        pltpu.sync_copy(ea0_hbm.at[pl.ds(s * EPS, EPS)], ea0_v)
        pltpu.sync_copy(ea1_hbm.at[pl.ds(s * EPS, EPS)], ea1_v)
        pltpu.sync_copy(ea2_hbm.at[pl.ds(s * EPS, EPS)], ea2_v)
        pltpu.sync_copy(znp_hbm.at[pl.ds(s * RPS, RPS)],
                        e0_sh.at[pl.ds(s * RPS, RPS)])
        pltpu.sync_copy(znp_hbm.at[pl.ds(s * RPS, RPS)],
                        e1_sh.at[pl.ds(s * RPS, RPS)])
        pltpu.sync_copy(znp_hbm.at[pl.ds(s * RPS, RPS)],
                        e2_sh.at[pl.ds(s * RPS, RPS)])

    @pl.when(c == 0)
    def _():
        def build(r, carry):
            for k in range(CH // 16):
                sl = pl.ds(k * 16, 16)
                d16 = dst_v[r, sl]
                g16 = plsc.load_gather(batch_v, [d16])
                src_v[r, sl] = src_v[r, sl] * NG + g16
            return carry
        lax.fori_loop(0, NCH, build, 0)

    plsc.subcore_barrier()

    def step(j, carry):
        @pl.when(c == 0)
        def _():
            pltpu.async_copy(ones_v, c_sh.at[src_v.at[j]], ssem, add=True)

        @pl.when(c == 1)
        def _():
            pltpu.async_copy(ea0_v.at[pl.ds(j * CH, CH)],
                             e0_sh.at[dst_v.at[j]], ssem, add=True)
            pltpu.async_copy(ea1_v.at[pl.ds(j * CH, CH)],
                             e1_sh.at[dst_v.at[j]], ssem, add=True)
            pltpu.async_copy(ea2_v.at[pl.ds(j * CH, CH)],
                             e2_sh.at[dst_v.at[j]], ssem, add=True)
        return carry

    lax.fori_loop(0, NCH, step, 0)

    def drain(j, carry):
        @pl.when(c == 0)
        def _():
            pltpu.make_async_copy(znp_hbm.at[pl.ds(0, CH)], ones_v, ssem).wait()

        @pl.when(c == 1)
        def _():
            pltpu.make_async_copy(znp_hbm.at[pl.ds(0, CH)],
                                  ea0_v.at[pl.ds(0, CH)], ssem).wait()
            pltpu.make_async_copy(znp_hbm.at[pl.ds(0, CH)],
                                  ea1_v.at[pl.ds(0, CH)], ssem).wait()
            pltpu.make_async_copy(znp_hbm.at[pl.ds(0, CH)],
                                  ea2_v.at[pl.ds(0, CH)], ssem).wait()
        return carry

    lax.fori_loop(0, NCH, drain, 0)
    plsc.subcore_barrier()

    @pl.when(c == 0)
    def _():
        pltpu.sync_copy(c_sh.at[pl.ds(s * CPS, CPS)],
                        cnt_hbm.at[pl.ds(s * CPS, CPS)])

    @pl.when(c == 1)
    def _():
        pltpu.sync_copy(e0_sh.at[pl.ds(s * RPS, RPS)],
                        e0_hbm.at[pl.ds(s * RPS, RPS)])
        pltpu.sync_copy(e1_sh.at[pl.ds(s * RPS, RPS)],
                        e1_hbm.at[pl.ds(s * RPS, RPS)])
        pltpu.sync_copy(e2_sh.at[pl.ds(s * RPS, RPS)],
                        e2_hbm.at[pl.ds(s * RPS, RPS)])


_sc_cnt = pl.kernel(
    _sc_cnt_body,
    mesh=plsc.VectorSubcoreMesh(core_axis_name="c", subcore_axis_name="s"),
    compiler_params=_SC_PARAMS,
    out_type=[jax.ShapeDtypeStruct((CW,), jnp.float32),
              jax.ShapeDtypeStruct((NP,), jnp.float32),
              jax.ShapeDtypeStruct((NP,), jnp.float32),
              jax.ShapeDtypeStruct((NP,), jnp.float32)],
    scratch_types=[
        pltpu.VMEM((NCH, CH), jnp.int32),
        pltpu.VMEM((NCH, CH), jnp.int32),
        pltpu.VMEM((N,), jnp.int32),
        pltpu.VMEM((EPS,), jnp.float32),
        pltpu.VMEM((EPS,), jnp.float32),
        pltpu.VMEM((EPS,), jnp.float32),
        pltpu.VMEM((CH,), jnp.float32),
        pltpu.VMEM((2560,), jnp.float32),
        pltpu.VMEM_SHARED((CW,), jnp.float32),
        pltpu.VMEM_SHARED((NP,), jnp.float32),
        pltpu.VMEM_SHARED((NP,), jnp.float32),
        pltpu.VMEM_SHARED((NP,), jnp.float32),
        pltpu.SemaphoreType.DMA,
    ],
)


def _tc_body(agg0, agg1, cmat, eas, batch, w1a, w1b, w1e, b1, w2x, w2e, b2,
             w3, b3, out, p_acc, q_acc):
    i = pl.program_id(0)

    @pl.when(i == 0)
    def _():
        p_acc[...] = jnp.zeros_like(p_acc)
        q_acc[...] = jnp.zeros_like(q_acc)

    h = (jnp.dot(agg0[...], w1a[...], preferred_element_type=jnp.float32)
         + jnp.dot(agg1[...], w1b[...], preferred_element_type=jnp.float32)
         + jnp.dot(eas[...], w1e[...], preferred_element_type=jnp.float32)
         + b1[...])
    h = jnp.maximum(h, 0.0)
    gids = lax.broadcasted_iota(jnp.int32, (1, NG), 1)
    oneh = (batch[...] == gids).astype(jnp.float32)
    m = oneh + cmat[...]
    p_acc[...] += lax.dot_general(m, h, (((0,), (0,)), ((), ())),
                                  preferred_element_type=jnp.float32)
    eaone = jnp.concatenate(
        [eas[...], jnp.ones((BLK, 1), jnp.float32),
         jnp.zeros((BLK, 3), jnp.float32)], axis=1)
    q_acc[...] += lax.dot_general(oneh, eaone, (((0,), (0,)), ((), ())),
                                  preferred_element_type=jnp.float32)

    @pl.when(i == GRID - 1)
    def _():
        q = q_acc[...]
        inv = 1.0 / jnp.maximum(q[:, 4:5], 1.0)
        pooled = (jnp.dot(p_acc[...] * inv, w2x[...],
                          preferred_element_type=jnp.float32)
                  + jnp.dot(q[:, :4] * inv, w2e[...],
                            preferred_element_type=jnp.float32)
                  + b2[...])
        logits = jnp.dot(pooled, w3[...],
                         preferred_element_type=jnp.float32) + b3[...]
        mx = jnp.max(logits, axis=1, keepdims=True)
        lse = jnp.log(jnp.sum(jnp.exp(logits - mx), axis=1, keepdims=True))
        out[...] = logits - mx - lse


_tc_head = pl.pallas_call(
    _tc_body,
    grid=(GRID,),
    in_specs=[
        pl.BlockSpec((BLK, HD), lambda i: (i, 0)),
        pl.BlockSpec((BLK, HD), lambda i: (i + GRID, 0)),
        pl.BlockSpec((BLK, NG), lambda i: (i, 0)),
        pl.BlockSpec((BLK, 4), lambda i: (i, 0)),
        pl.BlockSpec((BLK, 1), lambda i: (i, 0)),
        pl.BlockSpec((HD, H), lambda i: (0, 0)),
        pl.BlockSpec((HD, H), lambda i: (0, 0)),
        pl.BlockSpec((4, H), lambda i: (0, 0)),
        pl.BlockSpec((1, H), lambda i: (0, 0)),
        pl.BlockSpec((H, H), lambda i: (0, 0)),
        pl.BlockSpec((4, H), lambda i: (0, 0)),
        pl.BlockSpec((1, H), lambda i: (0, 0)),
        pl.BlockSpec((H, OUT), lambda i: (0, 0)),
        pl.BlockSpec((1, OUT), lambda i: (0, 0)),
    ],
    out_specs=pl.BlockSpec((NG, OUT), lambda i: (0, 0)),
    out_shape=jax.ShapeDtypeStruct((NG, OUT), jnp.float32),
    scratch_shapes=[pltpu.VMEM((NG, H), jnp.float32),
                    pltpu.VMEM((NG, 8), jnp.float32)],
)


def kernel(x, edge_index, edge_attr, batch, W1, b1, W2, b2, W3, b3):
    zpad = jnp.zeros((NP - N, HD), jnp.float32)
    x2 = jnp.concatenate([x[:, :HD], zpad, x[:, HD:], zpad], axis=0)
    srcr = edge_index[0].reshape(NSUB, NCH, CH)
    dstr = edge_index[1].reshape(NSUB, NCH, CH)
    znp = jnp.zeros((NP,), jnp.float32)
    srcf = edge_index[0].reshape(NSUB, EPS)
    (agg,) = _sc_agg(x2, srcf, dstr)
    cflat, e0, e1, e2 = _sc_cnt(srcr, dstr, edge_attr[:, 0], edge_attr[:, 1],
                                edge_attr[:, 2], batch, znp)
    cmat = cflat.reshape(NP, NG)
    eas = jnp.stack([e0, e1, e2, znp], axis=1)
    batch2 = jnp.pad(batch.reshape(N, 1), ((0, NP - N), (0, 0)),
                     constant_values=NG)
    w1a = W1[:, :HD].T
    w1b = W1[:, HD:DIN].T
    w1e = jnp.pad(W1[:, DIN:].T, ((0, 1), (0, 0)))
    b1r = b1.reshape(1, H)
    w2x = W2[:, :H].T
    w2e = jnp.pad(W2[:, H:].T, ((0, 1), (0, 0)))
    b2r = b2.reshape(1, H)
    w3t = W3.T
    b3r = b3.reshape(1, OUT)
    return _tc_head(agg, agg, cmat, eas, batch2, w1a, w1b, w1e, b1r,
                    w2x, w2e, b2r, w3t, b3r)

# --- scband reference (transcript-rebuilt; emitter-appended) ---
"""Pipeline reference for scband-gcn-22024592294072 (READ-ONLY COPY).

The authoritative reference and input builder live on the scoring server;
editing this copy changes nothing except your own understanding.
"""

import jax, jax.numpy as jnp
import numpy as np

N = 10000
E = 160000
DIN = 256
H = 512
OUT = 40
NG = 64
EDIM = 3


def setup_inputs(seed: int = 0) -> dict:
    key = jax.random.key(seed)
    ks = jax.random.split(key, 12)
    x = jax.random.normal(ks[0], (N, DIN), dtype=jnp.float32)
    edge_index = jax.random.randint(ks[1], (2, E), 0, N, dtype=jnp.int32)
    edge_attr = jax.random.normal(ks[2], (E, EDIM), dtype=jnp.float32)
    batch = jnp.sort(jax.random.randint(ks[3], (N,), 0, NG, dtype=jnp.int32))
    # learned parameters (torch Linear: out = x @ W.T + b)
    W1 = jax.random.normal(ks[4], (H, DIN + EDIM), dtype=jnp.float32) * (1.0 / np.sqrt(DIN + EDIM))
    b1 = jnp.zeros((H,), dtype=jnp.float32)
    W2 = jax.random.normal(ks[5], (H, H + EDIM), dtype=jnp.float32) * (1.0 / np.sqrt(H + EDIM))
    b2 = jnp.zeros((H,), dtype=jnp.float32)
    W3 = jax.random.normal(ks[6], (OUT, H), dtype=jnp.float32) * (1.0 / np.sqrt(H))
    b3 = jnp.zeros((OUT,), dtype=jnp.float32)
    return {"x": x, "edge_index": edge_index, "edge_attr": edge_attr, "batch": batch,
            "W1": W1, "b1": b1, "W2": W2, "b2": b2, "W3": W3, "b3": b3}


def _conv(x, edge_index, edge_attr, W, b):
    n = x.shape[0]
    loop = jnp.arange(n, dtype=edge_index.dtype)
    src = jnp.concatenate([edge_index[0], loop])
    dst = jnp.concatenate([edge_index[1], loop])
    ea_full = jnp.concatenate([edge_attr, jnp.zeros((n, EDIM), dtype=edge_attr.dtype)], axis=0)
    msg = jnp.concatenate([x[src], ea_full], axis=-1)  # message(): cat(x_j, edge_attr)
    aggr = jax.ops.segment_sum(msg, dst, num_segments=n)  # aggr='add'
    return aggr @ W.T + b  # update(): self.lin(aggr_out)


def reference(x, edge_index, edge_attr, batch, W1, b1, W2, b2, W3, b3):
    h = _conv(x, edge_index, edge_attr, W1, b1)
    h = jax.nn.relu(h)
    h = _conv(h, edge_index, edge_attr, W2, b2)
    # global_mean_pool
    s = jax.ops.segment_sum(h, batch, num_segments=NG)
    cnt = jax.ops.segment_sum(jnp.ones((h.shape[0],), dtype=jnp.float32), batch, num_segments=NG)
    pooled = s / jnp.maximum(cnt, 1.0)[:, None]
    logits = pooled @ W3.T + b3
    return jax.nn.log_softmax(logits, axis=1)

if __name__ == "__main__":
    import jax
    _d = setup_inputs()
    print(jax.jit(kernel)(*tuple(_d.values())))

</pallas_src>

<mosaic_0001>
#map = affine_map<(d0, d1) -> (0, 0, 0)>
#map1 = affine_map<(d0, d1) -> (0)>
module attributes {stable_mosaic.version = 14 : i64} {
  func.func @_sc_cnt_body(%arg0: i32, %arg1: i32, %arg2: memref<16x125x80xi32, #tpu.memory_space<hbm>>, %arg3: memref<16x125x80xi32, #tpu.memory_space<hbm>>, %arg4: memref<160000xf32, #tpu.memory_space<hbm>>, %arg5: memref<160000xf32, #tpu.memory_space<hbm>>, %arg6: memref<160000xf32, #tpu.memory_space<hbm>>, %arg7: memref<10000xi32, #tpu.memory_space<hbm>>, %arg8: memref<10240xf32, #tpu.memory_space<hbm>>, %arg9: memref<655360xf32, #tpu.memory_space<hbm>>, %arg10: memref<10240xf32, #tpu.memory_space<hbm>>, %arg11: memref<10240xf32, #tpu.memory_space<hbm>>, %arg12: memref<10240xf32, #tpu.memory_space<hbm>>, %arg13: memref<125x80xi32, #tpu.memory_space<vmem>>, %arg14: memref<125x80xi32, #tpu.memory_space<vmem>>, %arg15: memref<10000xi32, #tpu.memory_space<vmem>>, %arg16: memref<10000xf32, #tpu.memory_space<vmem>>, %arg17: memref<10000xf32, #tpu.memory_space<vmem>>, %arg18: memref<10000xf32, #tpu.memory_space<vmem>>, %arg19: memref<80xf32, #tpu.memory_space<vmem>>, %arg20: memref<2560xf32, #tpu.memory_space<vmem>>, %arg21: memref<655360xf32, #tpu.memory_space<vmem_shared>>, %arg22: memref<10240xf32, #tpu.memory_space<vmem_shared>>, %arg23: memref<10240xf32, #tpu.memory_space<vmem_shared>>, %arg24: memref<10240xf32, #tpu.memory_space<vmem_shared>>, %arg25: memref<!tpu.dma_semaphore, #tpu.memory_space<semaphore_mem>>) attributes {dimension_semantics = [#tpu.dimension_semantics<core_parallel>, #tpu.dimension_semantics<subcore_parallel>], iteration_bounds = array<i64: 2, 16>, scalar_prefetch = 0 : i64, scratch_operands = 13 : i64, tpu.core_type = #tpu.core_type<sc_vector_subcore>, window_params = [{transform_indices = #map}, {transform_indices = #map}, {transform_indices = #map1}, {transform_indices = #map1}, {transform_indices = #map1}, {transform_indices = #map1}, {transform_indices = #map1}, {transform_indices = #map1}, {transform_indices = #map1}, {transform_indices = #map1}, {transform_indices = #map1}]} {
    "tpu.region"() ({
      %run_scoped3A = tpu.sem_alloc : memref<!tpu.dma_semaphore, #tpu.memory_space<semaphore_mem>>
      %dma_start3A = arith.constant 0 : i32
      %dma_start3A_34 = arith.constant 0 : i32
      %dma_start3A_35 = tpu.memref_slice %arg2[%arg1, %dma_start3A, %dma_start3A_34] : memref<16x125x80xi32, #tpu.memory_space<hbm>> -> memref<1x125x80xi32, #tpu.memory_space<hbm>>
      %dma_start3A_36 = tpu.memref_squeeze %dma_start3A_35 : memref<1x125x80xi32, #tpu.memory_space<hbm>> -> memref<125x80xi32, #tpu.memory_space<hbm>>
      %dma_start3A_37 = arith.constant 0 : i32
      %dma_start3A_38 = arith.constant 0 : i32
      %dma_start3A_39 = tpu.memref_slice %arg2[%arg1, %dma_start3A_37, %dma_start3A_38] : memref<16x125x80xi32, #tpu.memory_space<hbm>> -> memref<1x125x80xi32, #tpu.memory_space<hbm>>
      %dma_start3A_40 = tpu.memref_squeeze %dma_start3A_39 : memref<1x125x80xi32, #tpu.memory_space<hbm>> -> memref<125x80xi32, #tpu.memory_space<hbm>>
      tpu.enqueue_dma source(%dma_start3A_40 : memref<125x80xi32, #tpu.memory_space<hbm>>) target(%arg13 : memref<125x80xi32, #tpu.memory_space<vmem>>) target_semaphore(%run_scoped3A : memref<!tpu.dma_semaphore, #tpu.memory_space<semaphore_mem>>)
      %dma_wait3A = arith.constant 0 : i32
      %dma_wait3A_41 = arith.constant 0 : i32
      %dma_wait3A_42 = tpu.memref_slice %arg2[%arg1, %dma_wait3A, %dma_wait3A_41] : memref<16x125x80xi32, #tpu.memory_space<hbm>> -> memref<1x125x80xi32, #tpu.memory_space<hbm>>
      %dma_wait3A_43 = tpu.memref_squeeze %dma_wait3A_42 : memref<1x125x80xi32, #tpu.memory_space<hbm>> -> memref<125x80xi32, #tpu.memory_space<hbm>>
      %dma_wait3A_44 = arith.constant 0 : i32
      %dma_wait3A_45 = arith.constant 0 : i32
      %dma_wait3A_46 = tpu.memref_slice %arg2[%arg1, %dma_wait3A_44, %dma_wait3A_45] : memref<16x125x80xi32, #tpu.memory_space<hbm>> -> memref<1x125x80xi32, #tpu.memory_space<hbm>>
      %dma_wait3A_47 = tpu.memref_squeeze %dma_wait3A_46 : memref<1x125x80xi32, #tpu.memory_space<hbm>> -> memref<125x80xi32, #tpu.memory_space<hbm>>
      tpu.wait_dma2 semaphore(%run_scoped3A : memref<!tpu.dma_semaphore, #tpu.memory_space<semaphore_mem>>) src(%dma_wait3A_47 : memref<125x80xi32, #tpu.memory_space<hbm>>) dst(%arg13 : memref<125x80xi32, #tpu.memory_space<vmem>>)
      tpu.yield
    }) : () -> ()
    "tpu.region"() ({
      %run_scoped3A = tpu.sem_alloc : memref<!tpu.dma_semaphore, #tpu.memory_space<semaphore_mem>>
      %dma_start3A = arith.constant 0 : i32
      %dma_start3A_34 = arith.constant 0 : i32
      %dma_start3A_35 = tpu.memref_slice %arg3[%arg1, %dma_start3A, %dma_start3A_34] : memref<16x125x80xi32, #tpu.memory_space<hbm>> -> memref<1x125x80xi32, #tpu.memory_space<hbm>>
      %dma_start3A_36 = tpu.memref_squeeze %dma_start3A_35 : memref<1x125x80xi32, #tpu.memory_space<hbm>> -> memref<125x80xi32, #tpu.memory_space<hbm>>
      %dma_start3A_37 = arith.constant 0 : i32
      %dma_start3A_38 = arith.constant 0 : i32
      %dma_start3A_39 = tpu.memref_slice %arg3[%arg1, %dma_start3A_37, %dma_start3A_38] : memref<16x125x80xi32, #tpu.memory_space<hbm>> -> memref<1x125x80xi32, #tpu.memory_space<hbm>>
      %dma_start3A_40 = tpu.memref_squeeze %dma_start3A_39 : memref<1x125x80xi32, #tpu.memory_space<hbm>> -> memref<125x80xi32, #tpu.memory_space<hbm>>
      tpu.enqueue_dma source(%dma_start3A_40 : memref<125x80xi32, #tpu.memory_space<hbm>>) target(%arg14 : memref<125x80xi32, #tpu.memory_space<vmem>>) target_semaphore(%run_scoped3A : memref<!tpu.dma_semaphore, #tpu.memory_space<semaphore_mem>>)
      %dma_wait3A = arith.constant 0 : i32
      %dma_wait3A_41 = arith.constant 0 : i32
      %dma_wait3A_42 = tpu.memref_slice %arg3[%arg1, %dma_wait3A, %dma_wait3A_41] : memref<16x125x80xi32, #tpu.memory_space<hbm>> -> memref<1x125x80xi32, #tpu.memory_space<hbm>>
      %dma_wait3A_43 = tpu.memref_squeeze %dma_wait3A_42 : memref<1x125x80xi32, #tpu.memory_space<hbm>> -> memref<125x80xi32, #tpu.memory_space<hbm>>
      %dma_wait3A_44 = arith.constant 0 : i32
      %dma_wait3A_45 = arith.constant 0 : i32
      %dma_wait3A_46 = tpu.memref_slice %arg3[%arg1, %dma_wait3A_44, %dma_wait3A_45] : memref<16x125x80xi32, #tpu.memory_space<hbm>> -> memref<1x125x80xi32, #tpu.memory_space<hbm>>
      %dma_wait3A_47 = tpu.memref_squeeze %dma_wait3A_46 : memref<1x125x80xi32, #tpu.memory_space<hbm>> -> memref<125x80xi32, #tpu.memory_space<hbm>>
      tpu.wait_dma2 semaphore(%run_scoped3A : memref<!tpu.dma_semaphore, #tpu.memory_space<semaphore_mem>>) src(%dma_wait3A_47 : memref<125x80xi32, #tpu.memory_space<hbm>>) dst(%arg14 : memref<125x80xi32, #tpu.memory_space<vmem>>)
      tpu.yield
    }) : () -> ()
    %eq3A = arith.constant 0 : i32
    %eq3A_0 = arith.cmpi eq, %arg0, %eq3A : i32
    %convert_element_type3A = arith.extui %eq3A_0 : i1 to i32
    %cond3A = arith.constant 0 : i32
    %cond3A_1 = arith.cmpi ne, %convert_element_type3A, %cond3A : i32
    scf.if %cond3A_1 {
      "tpu.region"() ({
        %run_scoped3A = tpu.sem_alloc : memref<!tpu.dma_semaphore, #tpu.memory_space<semaphore_mem>>
        tpu.enqueue_dma source(%arg7 : memref<10000xi32, #tpu.memory_space<hbm>>) target(%arg15 : memref<10000xi32, #tpu.memory_space<vmem>>) target_semaphore(%run_scoped3A : memref<!tpu.dma_semaphore, #tpu.memory_space<semaphore_mem>>)
        tpu.wait_dma2 semaphore(%run_scoped3A : memref<!tpu.dma_semaphore, #tpu.memory_space<semaphore_mem>>) src(%arg7 : memref<10000xi32, #tpu.memory_space<hbm>>) dst(%arg15 : memref<10000xi32, #tpu.memory_space<vmem>>)
        tpu.yield
      }) : () -> ()
      %scan3A_34 = arith.constant 0 : i32
      %scan3A_35 = arith.constant 0 : i32
      %scan3A_36 = arith.constant 160 : i32
      %scan3A_37 = arith.addi %scan3A_35, %scan3A_36 : i32
      %scan3A_38 = arith.constant 1 : i32
      scf.for %scan3A_64 = %scan3A_35 to %scan3A_37 step %scan3A_38  : i32 {
        %broadcast_in_dim3A_65 = arith.constant 0.000000e+00 : f32
        %broadcast_in_dim3A_66 = vector.broadcast %broadcast_in_dim3A_65 : f32 to vector<16xf32>
        %mul3A = arith.constant 16 : i32
        %mul3A_67 = arith.muli %scan3A_64, %mul3A : i32
        %swap3A_68 = arith.index_cast %mul3A_67 : i32 to index
        %swap3A_69 = tpu.vector_load %arg20[%swap3A_68] {strides = array<i32>} : memref<2560xf32, #tpu.memory_space<vmem>>, vector<16xf32>,
        tpu.vector_store %arg20[%swap3A_68], %broadcast_in_dim3A_66 {strides = array<i32>} : memref<2560xf32, #tpu.memory_space<vmem>>, vector<16xf32>,
      }
      %scan3A_39 = arith.constant 160 : i32
      %scan3A_40 = arith.constant 0 : i32
      %scan3A_41 = arith.constant 0 : i32
      %scan3A_42 = arith.constant 16 : i32
      %scan3A_43 = arith.addi %scan3A_41, %scan3A_42 : i32
      %scan3A_44 = arith.constant 1 : i32
      scf.for %scan3A_64 = %scan3A_41 to %scan3A_43 step %scan3A_44  : i32 {
        %mul3A = arith.constant 40960 : i32
        %mul3A_65 = arith.muli %arg1, %mul3A : i32
        %mul3A_66 = arith.constant 2560 : i32
        %mul3A_67 = arith.muli %scan3A_64, %mul3A_66 : i32
        %add3A = arith.addi %mul3A_65, %mul3A_67 : i32
        "tpu.region"() ({
          %run_scoped3A = tpu.sem_alloc : memref<!tpu.dma_semaphore, #tpu.memory_space<semaphore_mem>>
          %dma_start3A = tpu.memref_slice %arg21[%add3A] : memref<655360xf32, #tpu.memory_space<vmem_shared>> -> memref<2560xf32, #tpu.memory_space<vmem_shared>>
          %dma_start3A_68 = tpu.memref_slice %arg21[%add3A] : memref<655360xf32, #tpu.memory_space<vmem_shared>> -> memref<2560xf32, #tpu.memory_space<vmem_shared>>
          tpu.enqueue_dma source(%arg20 : memref<2560xf32, #tpu.memory_space<vmem>>) target(%dma_start3A_68 : memref<2560xf32, #tpu.memory_space<vmem_shared>>) target_semaphore(%run_scoped3A : memref<!tpu.dma_semaphore, #tpu.memory_space<semaphore_mem>>)
          %dma_wait3A = tpu.memref_slice %arg21[%add3A] : memref<655360xf32, #tpu.memory_space<vmem_shared>> -> memref<2560xf32, #tpu.memory_space<vmem_shared>>
          %dma_wait3A_69 = tpu.memref_slice %arg21[%add3A] : memref<655360xf32, #tpu.memory_space<vmem_shared>> -> memref<2560xf32, #tpu.memory_space<vmem_shared>>
          tpu.wait_dma2 semaphore(%run_scoped3A : memref<!tpu.dma_semaphore, #tpu.memory_space<semaphore_mem>>) src(%arg20 : memref<2560xf32, #tpu.memory_space<vmem>>) dst(%dma_wait3A_69 : memref<2560xf32, #tpu.memory_space<vmem_shared>>)
          tpu.yield
        }) : () -> ()
      }
      %scan3A_45 = arith.constant 16 : i32
      %broadcast_in_dim3A = arith.constant 1.000000e+00 : f32
      %broadcast_in_dim3A_46 = vector.broadcast %broadcast_in_dim3A : f32 to vector<16xf32>
      %swap3A = arith.constant 0 : index
      %swap3A_47 = tpu.vector_load %arg19[%swap3A] {strides = array<i32>} : memref<80xf32, #tpu.memory_space<vmem>>, vector<16xf32>,
      tpu.vector_store %arg19[%swap3A], %broadcast_in_dim3A_46 {strides = array<i32>} : memref<80xf32, #tpu.memory_space<vmem>>, vector<16xf32>,
      %broadcast_in_dim3A_48 = arith.constant 1.000000e+00 : f32
      %broadcast_in_dim3A_49 = vector.broadcast %broadcast_in_dim3A_48 : f32 to vector<16xf32>
      %swap3A_50 = arith.constant 16 : index
      %swap3A_51 = tpu.vector_load %arg19[%swap3A_50] {strides = array<i32>} : memref<80xf32, #tpu.memory_space<vmem>>, vector<16xf32>,
      tpu.vector_store %arg19[%swap3A_50], %broadcast_in_dim3A_49 {strides = array<i32>} : memref<80xf32, #tpu.memory_space<vmem>>, vector<16xf32>,
      %broadcast_in_dim3A_52 = arith.constant 1.000000e+00 : f32
      %broadcast_in_dim3A_53 = vector.broadcast %broadcast_in_dim3A_52 : f32 to vector<16xf32>
      %swap3A_54 = arith.constant 32 : index
      %swap3A_55 = tpu.vector_load %arg19[%swap3A_54] {strides = array<i32>} : memref<80xf32, #tpu.memory_space<vmem>>, vector<16xf32>,
      tpu.vector_store %arg19[%swap3A_54], %broadcast_in_dim3A_53 {strides = array<i32>} : memref<80xf32, #tpu.memory_space<vmem>>, vector<16xf32>,
      %broadcast_in_dim3A_56 = arith.constant 1.000000e+00 : f32
      %broadcast_in_dim3A_57 = vector.broadcast %broadcast_in_dim3A_56 : f32 to vector<16xf32>
      %swap3A_58 = arith.constant 48 : index
      %swap3A_59 = tpu.vector_load %arg19[%swap3A_58] {strides = array<i32>} : memref<80xf32, #tpu.memory_space<vmem>>, vector<16xf32>,
      tpu.vector_store %arg19[%swap3A_58], %broadcast_in_dim3A_57 {strides = array<i32>} : memref<80xf32, #tpu.memory_space<vmem>>, vector<16xf32>,
      %broadcast_in_dim3A_60 = arith.constant 1.000000e+00 : f32
      %broadcast_in_dim3A_61 = vector.broadcast %broadcast_in_dim3A_60 : f32 to vector<16xf32>
      %swap3A_62 = arith.constant 64 : index
      %swap3A_63 = tpu.vector_load %arg19[%swap3A_62] {strides = array<i32>} : memref<80xf32, #tpu.memory_space<vmem>>, vector<16xf32>,
      tpu.vector_store %arg19[%swap3A_62], %broadcast_in_dim3A_61 {strides = array<i32>} : memref<80xf32, #tpu.memory_space<vmem>>, vector<16xf32>,
    } else {
    }
    %eq3A_2 = arith.constant 1 : i32
    %eq3A_3 = arith.cmpi eq, %arg0, %eq3A_2 : i32
    %convert_element_type3A_4 = arith.extui %eq3A_3 : i1 to i32
    %cond3A_5 = arith.constant 0 : i32
    %cond3A_6 = arith.cmpi ne, %convert_element_type3A_4, %cond3A_5 : i32
    scf.if %cond3A_6 {
      %mul3A = arith.constant 10000 : i32
      %mul3A_34 = arith.muli %arg1, %mul3A : i32
      "tpu.region"() ({
        %run_scoped3A = tpu.sem_alloc : memref<!tpu.dma_semaphore, #tpu.memory_space<semaphore_mem>>
        %dma_start3A = tpu.memref_slice %arg4[%mul3A_34] : memref<160000xf32, #tpu.memory_space<hbm>> -> memref<10000xf32, #tpu.memory_space<hbm>>
        %dma_start3A_51 = tpu.memref_slice %arg4[%mul3A_34] : memref<160000xf32, #tpu.memory_space<hbm>> -> memref<10000xf32, #tpu.memory_space<hbm>>
        tpu.enqueue_dma source(%dma_start3A_51 : memref<10000xf32, #tpu.memory_space<hbm>>) target(%arg16 : memref<10000xf32, #tpu.memory_space<vmem>>) target_semaphore(%run_scoped3A : memref<!tpu.dma_semaphore, #tpu.memory_space<semaphore_mem>>)
        %dma_wait3A = tpu.memref_slice %arg4[%mul3A_34] : memref<160000xf32, #tpu.memory_space<hbm>> -> memref<10000xf32, #tpu.memory_space<hbm>>
        %dma_wait3A_52 = tpu.memref_slice %arg4[%mul3A_34] : memref<160000xf32, #tpu.memory_space<hbm>> -> memref<10000xf32, #tpu.memory_space<hbm>>
        tpu.wait_dma2 semaphore(%run_scoped3A : memref<!tpu.dma_semaphore, #tpu.memory_space<semaphore_mem>>) src(%dma_wait3A_52 : memref<10000xf32, #tpu.memory_space<hbm>>) dst(%arg16 : memref<10000xf32, #tpu.memory_space<vmem>>)
        tpu.yield
      }) : () -> ()
      %mul3A_35 = arith.constant 10000 : i32
      %mul3A_36 = arith.muli %arg1, %mul3A_35 : i32
      "tpu.region"() ({
        %run_scoped3A = tpu.sem_alloc : memref<!tpu.dma_semaphore, #tpu.memory_space<semaphore_mem>>
        %dma_start3A = tpu.memref_slice %arg5[%mul3A_36] : memref<160000xf32, #tpu.memory_space<hbm>> -> memref<10000xf32, #tpu.memory_space<hbm>>
        %dma_start3A_51 = tpu.memref_slice %arg5[%mul3A_36] : memref<160000xf32, #tpu.memory_space<hbm>> -> memref<10000xf32, #tpu.memory_space<hbm>>
        tpu.enqueue_dma source(%dma_start3A_51 : memref<10000xf32, #tpu.memory_space<hbm>>) target(%arg17 : memref<10000xf32, #tpu.memory_space<vmem>>) target_semaphore(%run_scoped3A : memref<!tpu.dma_semaphore, #tpu.memory_space<semaphore_mem>>)
        %dma_wait3A = tpu.memref_slice %arg5[%mul3A_36] : memref<160000xf32, #tpu.memory_space<hbm>> -> memref<10000xf32, #tpu.memory_space<hbm>>
        %dma_wait3A_52 = tpu.memref_slice %arg5[%mul3A_36] : memref<160000xf32, #tpu.memory_space<hbm>> -> memref<10000xf32, #tpu.memory_space<hbm>>
        tpu.wait_dma2 semaphore(%run_scoped3A : memref<!tpu.dma_semaphore, #tpu.memory_space<semaphore_mem>>) src(%dma_wait3A_52 : memref<10000xf32, #tpu.memory_space<hbm>>) dst(%arg17 : memref<10000xf32, #tpu.memory_space<vmem>>)
        tpu.yield
      }) : () -> ()
      %mul3A_37 = arith.constant 10000 : i32
      %mul3A_38 = arith.muli %arg1, %mul3A_37 : i32
      "tpu.region"() ({
        %run_scoped3A = tpu.sem_alloc : memref<!tpu.dma_semaphore, #tpu.memory_space<semaphore_mem>>
        %dma_start3A = tpu.memref_slice %arg6[%mul3A_38] : memref<160000xf32, #tpu.memory_space<hbm>> -> memref<10000xf32, #tpu.memory_space<hbm>>
        %dma_start3A_51 = tpu.memref_slice %arg6[%mul3A_38] : memref<160000xf32, #tpu.memory_space<hbm>> -> memref<10000xf32, #tpu.memory_space<hbm>>
        tpu.enqueue_dma source(%dma_start3A_51 : memref<10000xf32, #tpu.memory_space<hbm>>) target(%arg18 : memref<10000xf32, #tpu.memory_space<vmem>>) target_semaphore(%run_scoped3A : memref<!tpu.dma_semaphore, #tpu.memory_space<semaphore_mem>>)
        %dma_wait3A = tpu.memref_slice %arg6[%mul3A_38] : memref<160000xf32, #tpu.memory_space<hbm>> -> memref<10000xf32, #tpu.memory_space<hbm>>
        %dma_wait3A_52 = tpu.memref_slice %arg6[%mul3A_38] : memref<160000xf32, #tpu.memory_space<hbm>> -> memref<10000xf32, #tpu.memory_space<hbm>>
        tpu.wait_dma2 semaphore(%run_scoped3A : memref<!tpu.dma_semaphore, #tpu.memory_space<semaphore_mem>>) src(%dma_wait3A_52 : memref<10000xf32, #tpu.memory_space<hbm>>) dst(%arg18 : memref<10000xf32, #tpu.memory_space<vmem>>)
        tpu.yield
      }) : () -> ()
      %mul3A_39 = arith.constant 640 : i32
      %mul3A_40 = arith.muli %arg1, %mul3A_39 : i32
      %mul3A_41 = arith.constant 640 : i32
      %mul3A_42 = arith.muli %arg1, %mul3A_41 : i32
      "tpu.region"() ({
        %run_scoped3A = tpu.sem_alloc : memref<!tpu.dma_semaphore, #tpu.memory_space<semaphore_mem>>
        %dma_start3A = tpu.memref_slice %arg22[%mul3A_42] : memref<10240xf32, #tpu.memory_space<vmem_shared>> -> memref<640xf32, #tpu.memory_space<vmem_shared>>
        %dma_start3A_51 = tpu.memref_slice %arg8[%mul3A_40] : memref<10240xf32, #tpu.memory_space<hbm>> -> memref<640xf32, #tpu.memory_space<hbm>>
        tpu.enqueue_dma source(%dma_start3A_51 : memref<640xf32, #tpu.memory_space<hbm>>) target(%dma_start3A : memref<640xf32, #tpu.memory_space<vmem_shared>>) target_semaphore(%run_scoped3A : memref<!tpu.dma_semaphore, #tpu.memory_space<semaphore_mem>>)
        %dma_wait3A = tpu.memref_slice %arg22[%mul3A_42] : memref<10240xf32, #tpu.memory_space<vmem_shared>> -> memref<640xf32, #tpu.memory_space<vmem_shared>>
        %dma_wait3A_52 = tpu.memref_slice %arg8[%mul3A_40] : memref<10240xf32, #tpu.memory_space<hbm>> -> memref<640xf32, #tpu.memory_space<hbm>>
        tpu.wait_dma2 semaphore(%run_scoped3A : memref<!tpu.dma_semaphore, #tpu.memory_space<semaphore_mem>>) src(%dma_wait3A_52 : memref<640xf32, #tpu.memory_space<hbm>>) dst(%dma_wait3A : memref<640xf32, #tpu.memory_space<vmem_shared>>)
        tpu.yield
      }) : () -> ()
      %mul3A_43 = arith.constant 640 : i32
      %mul3A_44 = arith.muli %arg1, %mul3A_43 : i32
      %mul3A_45 = arith.constant 640 : i32
      %mul3A_46 = arith.muli %arg1, %mul3A_45 : i32
      "tpu.region"() ({
        %run_scoped3A = tpu.sem_alloc : memref<!tpu.dma_semaphore, #tpu.memory_space<semaphore_mem>>
        %dma_start3A = tpu.memref_slice %arg23[%mul3A_46] : memref<10240xf32, #tpu.memory_space<vmem_shared>> -> memref<640xf32, #tpu.memory_space<vmem_shared>>
        %dma_start3A_51 = tpu.memref_slice %arg8[%mul3A_44] : memref<10240xf32, #tpu.memory_space<hbm>> -> memref<640xf32, #tpu.memory_space<hbm>>
        tpu.enqueue_dma source(%dma_start3A_51 : memref<640xf32, #tpu.memory_space<hbm>>) target(%dma_start3A : memref<640xf32, #tpu.memory_space<vmem_shared>>) target_semaphore(%run_scoped3A : memref<!tpu.dma_semaphore, #tpu.memory_space<semaphore_mem>>)
        %dma_wait3A = tpu.memref_slice %arg23[%mul3A_46] : memref<10240xf32, #tpu.memory_space<vmem_shared>> -> memref<640xf32, #tpu.memory_space<vmem_shared>>
        %dma_wait3A_52 = tpu.memref_slice %arg8[%mul3A_44] : memref<10240xf32, #tpu.memory_space<hbm>> -> memref<640xf32, #tpu.memory_space<hbm>>
        tpu.wait_dma2 semaphore(%run_scoped3A : memref<!tpu.dma_semaphore, #tpu.memory_space<semaphore_mem>>) src(%dma_wait3A_52 : memref<640xf32, #tpu.memory_space<hbm>>) dst(%dma_wait3A : memref<640xf32, #tpu.memory_space<vmem_shared>>)
        tpu.yield
      }) : () -> ()
      %mul3A_47 = arith.constant 640 : i32
      %mul3A_48 = arith.muli %arg1, %mul3A_47 : i32
      %mul3A_49 = arith.constant 640 : i32
      %mul3A_50 = arith.muli %arg1, %mul3A_49 : i32
      "tpu.region"() ({
        %run_scoped3A = tpu.sem_alloc : memref<!tpu.dma_semaphore, #tpu.memory_space<semaphore_mem>>
        %dma_start3A = tpu.memref_slice %arg24[%mul3A_50] : memref<10240xf32, #tpu.memory_space<vmem_shared>> -> memref<640xf32, #tpu.memory_space<vmem_shared>>
        %dma_start3A_51 = tpu.memref_slice %arg8[%mul3A_48] : memref<10240xf32, #tpu.memory_space<hbm>> -> memref<640xf32, #tpu.memory_space<hbm>>
        tpu.enqueue_dma source(%dma_start3A_51 : memref<640xf32, #tpu.memory_space<hbm>>) target(%dma_start3A : memref<640xf32, #tpu.memory_space<vmem_shared>>) target_semaphore(%run_scoped3A : memref<!tpu.dma_semaphore, #tpu.memory_space<semaphore_mem>>)
        %dma_wait3A = tpu.memref_slice %arg24[%mul3A_50] : memref<10240xf32, #tpu.memory_space<vmem_shared>> -> memref<640xf32, #tpu.memory_space<vmem_shared>>
        %dma_wait3A_52 = tpu.memref_slice %arg8[%mul3A_48] : memref<10240xf32, #tpu.memory_space<hbm>> -> memref<640xf32, #tpu.memory_space<hbm>>
        tpu.wait_dma2 semaphore(%run_scoped3A : memref<!tpu.dma_semaphore, #tpu.memory_space<semaphore_mem>>) src(%dma_wait3A_52 : memref<640xf32, #tpu.memory_space<hbm>>) dst(%dma_wait3A : memref<640xf32, #tpu.memory_space<vmem_shared>>)
        tpu.yield
      }) : () -> ()
    } else {
    }
    %eq3A_7 = arith.constant 0 : i32
    %eq3A_8 = arith.cmpi eq, %arg0, %eq3A_7 : i32
    %convert_element_type3A_9 = arith.extui %eq3A_8 : i1 to i32
    %cond3A_10 = arith.constant 0 : i32
    %cond3A_11 = arith.cmpi ne, %convert_element_type3A_9, %cond3A_10 : i32
    scf.if %cond3A_11 {
      %scan3A_34 = arith.constant 0 : i32
      %scan3A_35 = arith.constant 0 : i32
      %scan3A_36 = arith.constant 125 : i32
      %scan3A_37 = arith.addi %scan3A_35, %scan3A_36 : i32
      %scan3A_38 = arith.constant 1 : i32
      scf.for %scan3A_40 = %scan3A_35 to %scan3A_37 step %scan3A_38  : i32 {
        %get3A = arith.index_cast %scan3A_40 : i32 to index
        %get3A_41 = arith.constant 0 : index
        %get3A_42 = tpu.vector_load %arg14[%get3A, %get3A_41] {strides = array<i32>} : memref<125x80xi32, #tpu.memory_space<vmem>>, vector<16xi32>,
        %gather3A = tpu.vector_load_idx %arg15[%get3A_42] : memref<10000xi32, #tpu.memory_space<vmem>>[vector<16xi32>], vector<16xi32>,
        %get3A_43 = arith.index_cast %scan3A_40 : i32 to index
        %get3A_44 = arith.constant 0 : index
        %get3A_45 = tpu.vector_load %arg13[%get3A_43, %get3A_44] {strides = array<i32>} : memref<125x80xi32, #tpu.memory_space<vmem>>, vector<16xi32>,
        %mul3A = arith.constant 64 : i32
        %mul3A_46 = vector.broadcast %mul3A : i32 to vector<16xi32>
        %mul3A_47 = arith.muli %get3A_45, %mul3A_46 : vector<16xi32>
        %add3A = arith.addi %mul3A_47, %gather3A : vector<16xi32>
        %swap3A = arith.index_cast %scan3A_40 : i32 to index
        %swap3A_48 = arith.constant 0 : index
        %swap3A_49 = tpu.vector_load %arg13[%swap3A, %swap3A_48] {strides = array<i32>} : memref<125x80xi32, #tpu.memory_space<vmem>>, vector<16xi32>,
        tpu.vector_store %arg13[%swap3A, %swap3A_48], %add3A {strides = array<i32>} : memref<125x80xi32, #tpu.memory_space<vmem>>, vector<16xi32>,
        %get3A_50 = arith.index_cast %scan3A_40 : i32 to index
        %get3A_51 = arith.constant 16 : index
        %get3A_52 = tpu.vector_load %arg14[%get3A_50, %get3A_51] {strides = array<i32>} : memref<125x80xi32, #tpu.memory_space<vmem>>, vector<16xi32>,
        %gather3A_53 = tpu.vector_load_idx %arg15[%get3A_52] : memref<10000xi32, #tpu.memory_space<vmem>>[vector<16xi32>], vector<16xi32>,
        %get3A_54 = arith.index_cast %scan3A_40 : i32 to index
        %get3A_55 = arith.constant 16 : index
        %get3A_56 = tpu.vector_load %arg13[%get3A_54, %get3A_55] {strides = array<i32>} : memref<125x80xi32, #tpu.memory_space<vmem>>, vector<16xi32>,
        %mul3A_57 = arith.constant 64 : i32
        %mul3A_58 = vector.broadcast %mul3A_57 : i32 to vector<16xi32>
        %mul3A_59 = arith.muli %get3A_56, %mul3A_58 : vector<16xi32>
        %add3A_60 = arith.addi %mul3A_59, %gather3A_53 : vector<16xi32>
        %swap3A_61 = arith.index_cast %scan3A_40 : i32 to index
        %swap3A_62 = arith.constant 16 : index
        %swap3A_63 = tpu.vector_load %arg13[%swap3A_61, %swap3A_62] {strides = array<i32>} : memref<125x80xi32, #tpu.memory_space<vmem>>, vector<16xi32>,
        tpu.vector_store %arg13[%swap3A_61, %swap3A_62], %add3A_60 {strides = array<i32>} : memref<125x80xi32, #tpu.memory_space<vmem>>, vector<16xi32>,
        %get3A_64 = arith.index_cast %scan3A_40 : i32 to index
        %get3A_65 = arith.constant 32 : index
        %get3A_66 = tpu.vector_load %arg14[%get3A_64, %get3A_65] {strides = array<i32>} : memref<125x80xi32, #tpu.memory_space<vmem>>, vector<16xi32>,
        %gather3A_67 = tpu.vector_load_idx %arg15[%get3A_66] : memref<10000xi32, #tpu.memory_space<vmem>>[vector<16xi32>], vector<16xi32>,
        %get3A_68 = arith.index_cast %scan3A_40 : i32 to index
        %get3A_69 = arith.constant 32 : index
        %get3A_70 = tpu.vector_load %arg13[%get3A_68, %get3A_69] {strides = array<i32>} : memref<125x80xi32, #tpu.memory_space<vmem>>, vector<16xi32>,
        %mul3A_71 = arith.constant 64 : i32
        %mul3A_72 = vector.broadcast %mul3A_71 : i32 to vector<16xi32>
        %mul3A_73 = arith.muli %get3A_70, %mul3A_72 : vector<16xi32>
        %add3A_74 = arith.addi %mul3A_73, %gather3A_67 : vector<16xi32>
        %swap3A_75 = arith.index_cast %scan3A_40 : i32 to index
        %swap3A_76 = arith.constant 32 : index
        %swap3A_77 = tpu.vector_load %arg13[%swap3A_75, %swap3A_76] {strides = array<i32>} : memref<125x80xi32, #tpu.memory_space<vmem>>, vector<16xi32>,
        tpu.vector_store %arg13[%swap3A_75, %swap3A_76], %add3A_74 {strides = array<i32>} : memref<125x80xi32, #tpu.memory_space<vmem>>, vector<16xi32>,
        %get3A_78 = arith.index_cast %scan3A_40 : i32 to index
        %get3A_79 = arith.constant 48 : index
        %get3A_80 = tpu.vector_load %arg14[%get3A_78, %get3A_79] {strides = array<i32>} : memref<125x80xi32, #tpu.memory_space<vmem>>, vector<16xi32>,
        %gather3A_81 = tpu.vector_load_idx %arg15[%get3A_80] : memref<10000xi32, #tpu.memory_space<vmem>>[vector<16xi32>], vector<16xi32>,
        %get3A_82 = arith.index_cast %scan3A_40 : i32 to index
        %get3A_83 = arith.constant 48 : index
        %get3A_84 = tpu.vector_load %arg13[%get3A_82, %get3A_83] {strides = array<i32>} : memref<125x80xi32, #tpu.memory_space<vmem>>, vector<16xi32>,
        %mul3A_85 = arith.constant 64 : i32
        %mul3A_86 = vector.broadcast %mul3A_85 : i32 to vector<16xi32>
        %mul3A_87 = arith.muli %get3A_84, %mul3A_86 : vector<16xi32>
        %add3A_88 = arith.addi %mul3A_87, %gather3A_81 : vector<16xi32>
        %swap3A_89 = arith.index_cast %scan3A_40 : i32 to index
        %swap3A_90 = arith.constant 48 : index
        %swap3A_91 = tpu.vector_load %arg13[%swap3A_89, %swap3A_90] {strides = array<i32>} : memref<125x80xi32, #tpu.memory_space<vmem>>, vector<16xi32>,
        tpu.vector_store %arg13[%swap3A_89, %swap3A_90], %add3A_88 {strides = array<i32>} : memref<125x80xi32, #tpu.memory_space<vmem>>, vector<16xi32>,
        %get3A_92 = arith.index_cast %scan3A_40 : i32 to index
        %get3A_93 = arith.constant 64 : index
        %get3A_94 = tpu.vector_load %arg14[%get3A_92, %get3A_93] {strides = array<i32>} : memref<125x80xi32, #tpu.memory_space<vmem>>, vector<16xi32>,
        %gather3A_95 = tpu.vector_load_idx %arg15[%get3A_94] : memref<10000xi32, #tpu.memory_space<vmem>>[vector<16xi32>], vector<16xi32>,
        %get3A_96 = arith.index_cast %scan3A_40 : i32 to index
        %get3A_97 = arith.constant 64 : index
        %get3A_98 = tpu.vector_load %arg13[%get3A_96, %get3A_97] {strides = array<i32>} : memref<125x80xi32, #tpu.memory_space<vmem>>, vector<16xi32>,
        %mul3A_99 = arith.constant 64 : i32
        %mul3A_100 = vector.broadcast %mul3A_99 : i32 to vector<16xi32>
        %mul3A_101 = arith.muli %get3A_98, %mul3A_100 : vector<16xi32>
        %add3A_102 = arith.addi %mul3A_101, %gather3A_95 : vector<16xi32>
        %swap3A_103 = arith.index_cast %scan3A_40 : i32 to index
        %swap3A_104 = arith.constant 64 : index
        %swap3A_105 = tpu.vector_load %arg13[%swap3A_103, %swap3A_104] {strides = array<i32>} : memref<125x80xi32, #tpu.memory_space<vmem>>, vector<16xi32>,
        tpu.vector_store %arg13[%swap3A_103, %swap3A_104], %add3A_102 {strides = array<i32>} : memref<125x80xi32, #tpu.memory_space<vmem>>, vector<16xi32>,
      }
      %scan3A_39 = arith.constant 125 : i32
    } else {
    }
    %barrier3A = arith.constant 0 : index
    tpu.barrier barrier_id(%barrier3A)
    %scan3A = arith.constant 0 : i32
    %scan3A_12 = arith.constant 0 : i32
    %scan3A_13 = arith.constant 125 : i32
    %scan3A_14 = arith.addi %scan3A_12, %scan3A_13 : i32
    %scan3A_15 = arith.constant 1 : i32
    scf.for %scan3A_34 = %scan3A_12 to %scan3A_14 step %scan3A_15  : i32 {
      %eq3A_35 = arith.constant 0 : i32
      %eq3A_36 = arith.cmpi eq, %arg0, %eq3A_35 : i32
      %convert_element_type3A_37 = arith.extui %eq3A_36 : i1 to i32
      %cond3A_38 = arith.constant 0 : i32
      %cond3A_39 = arith.cmpi ne, %convert_element_type3A_37, %cond3A_38 : i32
      scf.if %cond3A_39 {
        %dma_start3A = arith.constant 0 : i32
        %dma_start3A_45 = tpu.memref_slice %arg13[%scan3A_34, %dma_start3A] : memref<125x80xi32, #tpu.memory_space<vmem>> -> memref<1x80xi32, #tpu.memory_space<vmem>>
        %dma_start3A_46 = tpu.memref_squeeze %dma_start3A_45 : memref<1x80xi32, #tpu.memory_space<vmem>> -> memref<80xi32, #tpu.memory_space<vmem>>
        %dma_start3A_47 = arith.constant 0 : i32
        %dma_start3A_48 = tpu.memref_slice %arg21[%dma_start3A_47] : memref<655360xf32, #tpu.memory_space<vmem_shared>> -> memref<655360xf32, #tpu.memory_space<vmem_shared>>
        tpu.enqueue_indirect_dma source(%arg19 : memref<80xf32, #tpu.memory_space<vmem>>) target(%dma_start3A_48 : memref<655360xf32, #tpu.memory_space<vmem_shared>>) offsets(%dma_start3A_46 : memref<80xi32, #tpu.memory_space<vmem>>) semaphore(%arg25 : memref<!tpu.dma_semaphore, #tpu.memory_space<semaphore_mem>>) {add = true}
      } else {
      }
      %eq3A_40 = arith.constant 1 : i32
      %eq3A_41 = arith.cmpi eq, %arg0, %eq3A_40 : i32
      %convert_element_type3A_42 = arith.extui %eq3A_41 : i1 to i32
      %cond3A_43 = arith.constant 0 : i32
      %cond3A_44 = arith.cmpi ne, %convert_element_type3A_42, %cond3A_43 : i32
      scf.if %cond3A_44 {
        %mul3A = arith.constant 80 : i32
        %mul3A_45 = arith.muli %scan3A_34, %mul3A : i32
        %dma_start3A = tpu.memref_slice %arg16[%mul3A_45] : memref<10000xf32, #tpu.memory_space<vmem>> -> memref<80xf32, #tpu.memory_space<vmem>>
        %dma_start3A_46 = arith.constant 0 : i32
        %dma_start3A_47 = tpu.memref_slice %arg14[%scan3A_34, %dma_start3A_46] : memref<125x80xi32, #tpu.memory_space<vmem>> -> memref<1x80xi32, #tpu.memory_space<vmem>>
        %dma_start3A_48 = tpu.memref_squeeze %dma_start3A_47 : memref<1x80xi32, #tpu.memory_space<vmem>> -> memref<80xi32, #tpu.memory_space<vmem>>
        %dma_start3A_49 = arith.constant 0 : i32
        %dma_start3A_50 = tpu.memref_slice %arg22[%dma_start3A_49] : memref<10240xf32, #tpu.memory_space<vmem_shared>> -> memref<10240xf32, #tpu.memory_space<vmem_shared>>
        tpu.enqueue_indirect_dma source(%dma_start3A : memref<80xf32, #tpu.memory_space<vmem>>) target(%dma_start3A_50 : memref<10240xf32, #tpu.memory_space<vmem_shared>>) offsets(%dma_start3A_48 : memref<80xi32, #tpu.memory_space<vmem>>) semaphore(%arg25 : memref<!tpu.dma_semaphore, #tpu.memory_space<semaphore_mem>>) {add = true}
        %mul3A_51 = arith.constant 80 : i32
        %mul3A_52 = arith.muli %scan3A_34, %mul3A_51 : i32
        %dma_start3A_53 = tpu.memref_slice %arg17[%mul3A_52] : memref<10000xf32, #tpu.memory_space<vmem>> -> memref<80xf32, #tpu.memory_space<vmem>>
        %dma_start3A_54 = arith.constant 0 : i32
        %dma_start3A_55 = tpu.memref_slice %arg14[%scan3A_34, %dma_start3A_54] : memref<125x80xi32, #tpu.memory_space<vmem>> -> memref<1x80xi32, #tpu.memory_space<vmem>>
        %dma_start3A_56 = tpu.memref_squeeze %dma_start3A_55 : memref<1x80xi32, #tpu.memory_space<vmem>> -> memref<80xi32, #tpu.memory_space<vmem>>
        %dma_start3A_57 = arith.constant 0 : i32
        %dma_start3A_58 = tpu.memref_slice %arg23[%dma_start3A_57] : memref<10240xf32, #tpu.memory_space<vmem_shared>> -> memref<10240xf32, #tpu.memory_space<vmem_shared>>
        tpu.enqueue_indirect_dma source(%dma_start3A_53 : memref<80xf32, #tpu.memory_space<vmem>>) target(%dma_start3A_58 : memref<10240xf32, #tpu.memory_space<vmem_shared>>) offsets(%dma_start3A_56 : memref<80xi32, #tpu.memory_space<vmem>>) semaphore(%arg25 : memref<!tpu.dma_semaphore, #tpu.memory_space<semaphore_mem>>) {add = true}
        %mul3A_59 = arith.constant 80 : i32
        %mul3A_60 = arith.muli %scan3A_34, %mul3A_59 : i32
        %dma_start3A_61 = tpu.memref_slice %arg18[%mul3A_60] : memref<10000xf32, #tpu.memory_space<vmem>> -> memref<80xf32, #tpu.memory_space<vmem>>
        %dma_start3A_62 = arith.constant 0 : i32
        %dma_start3A_63 = tpu.memref_slice %arg14[%scan3A_34, %dma_start3A_62] : memref<125x80xi32, #tpu.memory_space<vmem>> -> memref<1x80xi32, #tpu.memory_space<vmem>>
        %dma_start3A_64 = tpu.memref_squeeze %dma_start3A_63 : memref<1x80xi32, #tpu.memory_space<vmem>> -> memref<80xi32, #tpu.memory_space<vmem>>
        %dma_start3A_65 = arith.constant 0 : i32
        %dma_start3A_66 = tpu.memref_slice %arg24[%dma_start3A_65] : memref<10240xf32, #tpu.memory_space<vmem_shared>> -> memref<10240xf32, #tpu.memory_space<vmem_shared>>
        tpu.enqueue_indirect_dma source(%dma_start3A_61 : memref<80xf32, #tpu.memory_space<vmem>>) target(%dma_start3A_66 : memref<10240xf32, #tpu.memory_space<vmem_shared>>) offsets(%dma_start3A_64 : memref<80xi32, #tpu.memory_space<vmem>>) semaphore(%arg25 : memref<!tpu.dma_semaphore, #tpu.memory_space<semaphore_mem>>) {add = true}
      } else {
      }
    }
    %scan3A_16 = arith.constant 125 : i32
    %scan3A_17 = arith.constant 0 : i32
    %scan3A_18 = arith.constant 0 : i32
    %scan3A_19 = arith.constant 125 : i32
    %scan3A_20 = arith.addi %scan3A_18, %scan3A_19 : i32
    %scan3A_21 = arith.constant 1 : i32
    scf.for %scan3A_34 = %scan3A_18 to %scan3A_20 step %scan3A_21  : i32 {
      %eq3A_35 = arith.constant 0 : i32
      %eq3A_36 = arith.cmpi eq, %arg0, %eq3A_35 : i32
      %convert_element_type3A_37 = arith.extui %eq3A_36 : i1 to i32
      %cond3A_38 = arith.constant 0 : i32
      %cond3A_39 = arith.cmpi ne, %convert_element_type3A_37, %cond3A_38 : i32
      scf.if %cond3A_39 {
        %dma_wait3A = arith.constant 0 : i32
        %dma_wait3A_45 = tpu.memref_slice %arg8[%dma_wait3A] : memref<10240xf32, #tpu.memory_space<hbm>> -> memref<80xf32, #tpu.memory_space<hbm>>
        %dma_wait3A_46 = arith.constant 0 : i32
        %dma_wait3A_47 = tpu.memref_slice %arg8[%dma_wait3A_46] : memref<10240xf32, #tpu.memory_space<hbm>> -> memref<80xf32, #tpu.memory_space<hbm>>
        tpu.wait_dma2 semaphore(%arg25 : memref<!tpu.dma_semaphore, #tpu.memory_space<semaphore_mem>>) src(%dma_wait3A_47 : memref<80xf32, #tpu.memory_space<hbm>>) dst(%arg19 : memref<80xf32, #tpu.memory_space<vmem>>)
      } else {
      }
      %eq3A_40 = arith.constant 1 : i32
      %eq3A_41 = arith.cmpi eq, %arg0, %eq3A_40 : i32
      %convert_element_type3A_42 = arith.extui %eq3A_41 : i1 to i32
      %cond3A_43 = arith.constant 0 : i32
      %cond3A_44 = arith.cmpi ne, %convert_element_type3A_42, %cond3A_43 : i32
      scf.if %cond3A_44 {
        %dma_wait3A = arith.constant 0 : i32
        %dma_wait3A_45 = tpu.memref_slice %arg16[%dma_wait3A] : memref<10000xf32, #tpu.memory_space<vmem>> -> memref<80xf32, #tpu.memory_space<vmem>>
        %dma_wait3A_46 = arith.constant 0 : i32
        %dma_wait3A_47 = tpu.memref_slice %arg8[%dma_wait3A_46] : memref<10240xf32, #tpu.memory_space<hbm>> -> memref<80xf32, #tpu.memory_space<hbm>>
        %dma_wait3A_48 = arith.constant 0 : i32
        %dma_wait3A_49 = tpu.memref_slice %arg16[%dma_wait3A_48] : memref<10000xf32, #tpu.memory_space<vmem>> -> memref<80xf32, #tpu.memory_space<vmem>>
        %dma_wait3A_50 = arith.constant 0 : i32
        %dma_wait3A_51 = tpu.memref_slice %arg8[%dma_wait3A_50] : memref<10240xf32, #tpu.memory_space<hbm>> -> memref<80xf32, #tpu.memory_space<hbm>>
        tpu.wait_dma2 semaphore(%arg25 : memref<!tpu.dma_semaphore, #tpu.memory_space<semaphore_mem>>) src(%dma_wait3A_51 : memref<80xf32, #tpu.memory_space<hbm>>) dst(%dma_wait3A_49 : memref<80xf32, #tpu.memory_space<vmem>>)
        %dma_wait3A_52 = arith.constant 0 : i32
        %dma_wait3A_53 = tpu.memref_slice %arg17[%dma_wait3A_52] : memref<10000xf32, #tpu.memory_space<vmem>> -> memref<80xf32, #tpu.memory_space<vmem>>
        %dma_wait3A_54 = arith.constant 0 : i32
        %dma_wait3A_55 = tpu.memref_slice %arg8[%dma_wait3A_54] : memref<10240xf32, #tpu.memory_space<hbm>> -> memref<80xf32, #tpu.memory_space<hbm>>
        %dma_wait3A_56 = arith.constant 0 : i32
        %dma_wait3A_57 = tpu.memref_slice %arg17[%dma_wait3A_56] : memref<10000xf32, #tpu.memory_space<vmem>> -> memref<80xf32, #tpu.memory_space<vmem>>
        %dma_wait3A_58 = arith.constant 0 : i32
        %dma_wait3A_59 = tpu.memref_slice %arg8[%dma_wait3A_58] : memref<10240xf32, #tpu.memory_space<hbm>> -> memref<80xf32, #tpu.memory_space<hbm>>
        tpu.wait_dma2 semaphore(%arg25 : memref<!tpu.dma_semaphore, #tpu.memory_space<semaphore_mem>>) src(%dma_wait3A_59 : memref<80xf32, #tpu.memory_space<hbm>>) dst(%dma_wait3A_57 : memref<80xf32, #tpu.memory_space<vmem>>)
        %dma_wait3A_60 = arith.constant 0 : i32
        %dma_wait3A_61 = tpu.memref_slice %arg18[%dma_wait3A_60] : memref<10000xf32, #tpu.memory_space<vmem>> -> memref<80xf32, #tpu.memory_space<vmem>>
        %dma_wait3A_62 = arith.constant 0 : i32
        %dma_wait3A_63 = tpu.memref_slice %arg8[%dma_wait3A_62] : memref<10240xf32, #tpu.memory_space<hbm>> -> memref<80xf32, #tpu.memory_space<hbm>>
        %dma_wait3A_64 = arith.constant 0 : i32
        %dma_wait3A_65 = tpu.memref_slice %arg18[%dma_wait3A_64] : memref<10000xf32, #tpu.memory_space<vmem>> -> memref<80xf32, #tpu.memory_space<vmem>>
        %dma_wait3A_66 = arith.constant 0 : i32
        %dma_wait3A_67 = tpu.memref_slice %arg8[%dma_wait3A_66] : memref<10240xf32, #tpu.memory_space<hbm>> -> memref<80xf32, #tpu.memory_space<hbm>>
        tpu.wait_dma2 semaphore(%arg25 : memref<!tpu.dma_semaphore, #tpu.memory_space<semaphore_mem>>) src(%dma_wait3A_67 : memref<80xf32, #tpu.memory_space<hbm>>) dst(%dma_wait3A_65 : memref<80xf32, #tpu.memory_space<vmem>>)
      } else {
      }
    }
    %scan3A_22 = arith.constant 125 : i32
    %barrier3A_23 = arith.constant 0 : index
    tpu.barrier barrier_id(%barrier3A_23)
    %eq3A_24 = arith.constant 0 : i32
    %eq3A_25 = arith.cmpi eq, %arg0, %eq3A_24 : i32
    %convert_element_type3A_26 = arith.extui %eq3A_25 : i1 to i32
    %cond3A_27 = arith.constant 0 : i32
    %cond3A_28 = arith.cmpi ne, %convert_element_type3A_26, %cond3A_27 : i32
    scf.if %cond3A_28 {
      %mul3A = arith.constant 40960 : i32
      %mul3A_34 = arith.muli %arg1, %mul3A : i32
      %mul3A_35 = arith.constant 40960 : i32
      %mul3A_36 = arith.muli %arg1, %mul3A_35 : i32
      "tpu.region"() ({
        %run_scoped3A = tpu.sem_alloc : memref<!tpu.dma_semaphore, #tpu.memory_space<semaphore_mem>>
        %dma_start3A = tpu.memref_slice %arg9[%mul3A_36] : memref<655360xf32, #tpu.memory_space<hbm>> -> memref<40960xf32, #tpu.memory_space<hbm>>
        %dma_start3A_37 = tpu.memref_slice %arg21[%mul3A_34] : memref<655360xf32, #tpu.memory_space<vmem_shared>> -> memref<40960xf32, #tpu.memory_space<vmem_shared>>
        tpu.enqueue_dma source(%dma_start3A_37 : memref<40960xf32, #tpu.memory_space<vmem_shared>>) target(%dma_start3A : memref<40960xf32, #tpu.memory_space<hbm>>) target_semaphore(%run_scoped3A : memref<!tpu.dma_semaphore, #tpu.memory_space<semaphore_mem>>)
        %dma_wait3A = tpu.memref_slice %arg9[%mul3A_36] : memref<655360xf32, #tpu.memory_space<hbm>> -> memref<40960xf32, #tpu.memory_space<hbm>>
        %dma_wait3A_38 = tpu.memref_slice %arg21[%mul3A_34] : memref<655360xf32, #tpu.memory_space<vmem_shared>> -> memref<40960xf32, #tpu.memory_space<vmem_shared>>
        tpu.wait_dma2 semaphore(%run_scoped3A : memref<!tpu.dma_semaphore, #tpu.memory_space<semaphore_mem>>) src(%dma_wait3A_38 : memref<40960xf32, #tpu.memory_space<vmem_shared>>) dst(%dma_wait3A : memref<40960xf32, #tpu.memory_space<hbm>>)
        tpu.yield
      }) : () -> ()
    } else {
    }
    %eq3A_29 = arith.constant 1 : i32
    %eq3A_30 = arith.cmpi eq, %arg0, %eq3A_29 : i32
    %convert_element_type3A_31 = arith.extui %eq3A_30 : i1 to i32
    %cond3A_32 = arith.constant 0 : i32
    %cond3A_33 = arith.cmpi ne, %convert_element_type3A_31, %cond3A_32 : i32
    scf.if %cond3A_33 {
      %mul3A = arith.constant 640 : i32
      %mul3A_34 = arith.muli %arg1, %mul3A : i32
      %mul3A_35 = arith.constant 640 : i32
      %mul3A_36 = arith.muli %arg1, %mul3A_35 : i32
      "tpu.region"() ({
        %run_scoped3A = tpu.sem_alloc : memref<!tpu.dma_semaphore, #tpu.memory_space<semaphore_mem>>
        %dma_start3A = tpu.memref_slice %arg10[%mul3A_36] : memref<10240xf32, #tpu.memory_space<hbm>> -> memref<640xf32, #tpu.memory_space<hbm>>
        %dma_start3A_45 = tpu.memref_slice %arg22[%mul3A_34] : memref<10240xf32, #tpu.memory_space<vmem_shared>> -> memref<640xf32, #tpu.memory_space<vmem_shared>>
        tpu.enqueue_dma source(%dma_start3A_45 : memref<640xf32, #tpu.memory_space<vmem_shared>>) target(%dma_start3A : memref<640xf32, #tpu.memory_space<hbm>>) target_semaphore(%run_scoped3A : memref<!tpu.dma_semaphore, #tpu.memory_space<semaphore_mem>>)
        %dma_wait3A = tpu.memref_slice %arg10[%mul3A_36] : memref<10240xf32, #tpu.memory_space<hbm>> -> memref<640xf32, #tpu.memory_space<hbm>>
        %dma_wait3A_46 = tpu.memref_slice %arg22[%mul3A_34] : memref<10240xf32, #tpu.memory_space<vmem_shared>> -> memref<640xf32, #tpu.memory_space<vmem_shared>>
        tpu.wait_dma2 semaphore(%run_scoped3A : memref<!tpu.dma_semaphore, #tpu.memory_space<semaphore_mem>>) src(%dma_wait3A_46 : memref<640xf32, #tpu.memory_space<vmem_shared>>) dst(%dma_wait3A : memref<640xf32, #tpu.memory_space<hbm>>)
        tpu.yield
      }) : () -> ()
      %mul3A_37 = arith.constant 640 : i32
      %mul3A_38 = arith.muli %arg1, %mul3A_37 : i32
      %mul3A_39 = arith.constant 640 : i32
      %mul3A_40 = arith.muli %arg1, %mul3A_39 : i32
      "tpu.region"() ({
        %run_scoped3A = tpu.sem_alloc : memref<!tpu.dma_semaphore, #tpu.memory_space<semaphore_mem>>
        %dma_start3A = tpu.memref_slice %arg11[%mul3A_40] : memref<10240xf32, #tpu.memory_space<hbm>> -> memref<640xf32, #tpu.memory_space<hbm>>
        %dma_start3A_45 = tpu.memref_slice %arg23[%mul3A_38] : memref<10240xf32, #tpu.memory_space<vmem_shared>> -> memref<640xf32, #tpu.memory_space<vmem_shared>>
        tpu.enqueue_dma source(%dma_start3A_45 : memref<640xf32, #tpu.memory_space<vmem_shared>>) target(%dma_start3A : memref<640xf32, #tpu.memory_space<hbm>>) target_semaphore(%run_scoped3A : memref<!tpu.dma_semaphore, #tpu.memory_space<semaphore_mem>>)
        %dma_wait3A = tpu.memref_slice %arg11[%mul3A_40] : memref<10240xf32, #tpu.memory_space<hbm>> -> memref<640xf32, #tpu.memory_space<hbm>>
        %dma_wait3A_46 = tpu.memref_slice %arg23[%mul3A_38] : memref<10240xf32, #tpu.memory_space<vmem_shared>> -> memref<640xf32, #tpu.memory_space<vmem_shared>>
        tpu.wait_dma2 semaphore(%run_scoped3A : memref<!tpu.dma_semaphore, #tpu.memory_space<semaphore_mem>>) src(%dma_wait3A_46 : memref<640xf32, #tpu.memory_space<vmem_shared>>) dst(%dma_wait3A : memref<640xf32, #tpu.memory_space<hbm>>)
        tpu.yield
      }) : () -> ()
      %mul3A_41 = arith.constant 640 : i32
      %mul3A_42 = arith.muli %arg1, %mul3A_41 : i32
      %mul3A_43 = arith.constant 640 : i32
      %mul3A_44 = arith.muli %arg1, %mul3A_43 : i32
      "tpu.region"() ({
        %run_scoped3A = tpu.sem_alloc : memref<!tpu.dma_semaphore, #tpu.memory_space<semaphore_mem>>
        %dma_start3A = tpu.memref_slice %arg12[%mul3A_44] : memref<10240xf32, #tpu.memory_space<hbm>> -> memref<640xf32, #tpu.memory_space<hbm>>
        %dma_start3A_45 = tpu.memref_slice %arg24[%mul3A_42] : memref<10240xf32, #tpu.memory_space<vmem_shared>> -> memref<640xf32, #tpu.memory_space<vmem_shared>>
        tpu.enqueue_dma source(%dma_start3A_45 : memref<640xf32, #tpu.memory_space<vmem_shared>>) target(%dma_start3A : memref<640xf32, #tpu.memory_space<hbm>>) target_semaphore(%run_scoped3A : memref<!tpu.dma_semaphore, #tpu.memory_space<semaphore_mem>>)
        %dma_wait3A = tpu.memref_slice %arg12[%mul3A_44] : memref<10240xf32, #tpu.memory_space<hbm>> -> memref<640xf32, #tpu.memory_space<hbm>>
        %dma_wait3A_46 = tpu.memref_slice %arg24[%mul3A_42] : memref<10240xf32, #tpu.memory_space<vmem_shared>> -> memref<640xf32, #tpu.memory_space<vmem_shared>>
        tpu.wait_dma2 semaphore(%run_scoped3A : memref<!tpu.dma_semaphore, #tpu.memory_space<semaphore_mem>>) src(%dma_wait3A_46 : memref<640xf32, #tpu.memory_space<vmem_shared>>) dst(%dma_wait3A : memref<640xf32, #tpu.memory_space<hbm>>)
        tpu.yield
      }) : () -> ()
    } else {
    }
    return
  }
}

#map = affine_map<(d0, d1) -> (0, 0)>
#map1 = affine_map<(d0, d1) -> (0, 0, 0)>
module attributes {stable_mosaic.version = 14 : i64} {
  func.func @_sc_agg_body(%arg0: i32, %arg1: i32, %arg2: memref<20480x128xf32, #tpu.memory_space<hbm>>, %arg3: memref<16x10000xi32, #tpu.memory_space<hbm>>, %arg4: memref<16x125x80xi32, #tpu.memory_space<hbm>>, %arg5: memref<20480x128xf32, #tpu.memory_space<hbm>>, %arg6: memref<10000xi32, #tpu.memory_space<vmem>>, %arg7: memref<125x80xi32, #tpu.memory_space<vmem>>, %arg8: memref<80x128xf32, #tpu.memory_space<vmem>>, %arg9: memref<80x128xf32, #tpu.memory_space<vmem>>, %arg10: memref<10240x128xf32, #tpu.memory_space<vmem_shared>>, %arg11: memref<!tpu.dma_semaphore, #tpu.memory_space<semaphore_mem>>, %arg12: memref<!tpu.dma_semaphore, #tpu.memory_space<semaphore_mem>>, %arg13: memref<!tpu.dma_semaphore, #tpu.memory_space<semaphore_mem>>, %arg14: memref<!tpu.dma_semaphore, #tpu.memory_space<semaphore_mem>>) attributes {dimension_semantics = [#tpu.dimension_semantics<core_parallel>, #tpu.dimension_semantics<subcore_parallel>], iteration_bounds = array<i64: 2, 16>, scalar_prefetch = 0 : i64, scratch_operands = 9 : i64, tpu.core_type = #tpu.core_type<sc_vector_subcore>, window_params = [{transform_indices = #map}, {transform_indices = #map}, {transform_indices = #map1}, {transform_indices = #map}]} {
    "tpu.region"() ({
      %run_scoped3A = tpu.sem_alloc : memref<!tpu.dma_semaphore, #tpu.memory_space<semaphore_mem>>
      %dma_start3A_47 = arith.constant 0 : i32
      %dma_start3A_48 = tpu.memref_slice %arg3[%arg1, %dma_start3A_47] : memref<16x10000xi32, #tpu.memory_space<hbm>> -> memref<1x10000xi32, #tpu.memory_space<hbm>>
      %dma_start3A_49 = tpu.memref_squeeze %dma_start3A_48 : memref<1x10000xi32, #tpu.memory_space<hbm>> -> memref<10000xi32, #tpu.memory_space<hbm>>
      %dma_start3A_50 = arith.constant 0 : i32
      %dma_start3A_51 = tpu.memref_slice %arg3[%arg1, %dma_start3A_50] : memref<16x10000xi32, #tpu.memory_space<hbm>> -> memref<1x10000xi32, #tpu.memory_space<hbm>>
      %dma_start3A_52 = tpu.memref_squeeze %dma_start3A_51 : memref<1x10000xi32, #tpu.memory_space<hbm>> -> memref<10000xi32, #tpu.memory_space<hbm>>
      tpu.enqueue_dma source(%dma_start3A_52 : memref<10000xi32, #tpu.memory_space<hbm>>) target(%arg6 : memref<10000xi32, #tpu.memory_space<vmem>>) target_semaphore(%run_scoped3A : memref<!tpu.dma_semaphore, #tpu.memory_space<semaphore_mem>>)
      %dma_wait3A_53 = arith.constant 0 : i32
      %dma_wait3A_54 = tpu.memref_slice %arg3[%arg1, %dma_wait3A_53] : memref<16x10000xi32, #tpu.memory_space<hbm>> -> memref<1x10000xi32, #tpu.memory_space<hbm>>
      %dma_wait3A_55 = tpu.memref_squeeze %dma_wait3A_54 : memref<1x10000xi32, #tpu.memory_space<hbm>> -> memref<10000xi32, #tpu.memory_space<hbm>>
      %dma_wait3A_56 = arith.constant 0 : i32
      %dma_wait3A_57 = tpu.memref_slice %arg3[%arg1, %dma_wait3A_56] : memref<16x10000xi32, #tpu.memory_space<hbm>> -> memref<1x10000xi32, #tpu.memory_space<hbm>>
      %dma_wait3A_58 = tpu.memref_squeeze %dma_wait3A_57 : memref<1x10000xi32, #tpu.memory_space<hbm>> -> memref<10000xi32, #tpu.memory_space<hbm>>
      tpu.wait_dma2 semaphore(%run_scoped3A : memref<!tpu.dma_semaphore, #tpu.memory_space<semaphore_mem>>) src(%dma_wait3A_58 : memref<10000xi32, #tpu.memory_space<hbm>>) dst(%arg6 : memref<10000xi32, #tpu.memory_space<vmem>>)
      tpu.yield
    }) : () -> ()
    "tpu.region"() ({
      %run_scoped3A = tpu.sem_alloc : memref<!tpu.dma_semaphore, #tpu.memory_space<semaphore_mem>>
      %dma_start3A_47 = arith.constant 0 : i32
      %dma_start3A_48 = arith.constant 0 : i32
      %dma_start3A_49 = tpu.memref_slice %arg4[%arg1, %dma_start3A_47, %dma_start3A_48] : memref<16x125x80xi32, #tpu.memory_space<hbm>> -> memref<1x125x80xi32, #tpu.memory_space<hbm>>
      %dma_start3A_50 = tpu.memref_squeeze %dma_start3A_49 : memref<1x125x80xi32, #tpu.memory_space<hbm>> -> memref<125x80xi32, #tpu.memory_space<hbm>>
      %dma_start3A_51 = arith.constant 0 : i32
      %dma_start3A_52 = arith.constant 0 : i32
      %dma_start3A_53 = tpu.memref_slice %arg4[%arg1, %dma_start3A_51, %dma_start3A_52] : memref<16x125x80xi32, #tpu.memory_space<hbm>> -> memref<1x125x80xi32, #tpu.memory_space<hbm>>
      %dma_start3A_54 = tpu.memref_squeeze %dma_start3A_53 : memref<1x125x80xi32, #tpu.memory_space<hbm>> -> memref<125x80xi32, #tpu.memory_space<hbm>>
      tpu.enqueue_dma source(%dma_start3A_54 : memref<125x80xi32, #tpu.memory_space<hbm>>) target(%arg7 : memref<125x80xi32, #tpu.memory_space<vmem>>) target_semaphore(%run_scoped3A : memref<!tpu.dma_semaphore, #tpu.memory_space<semaphore_mem>>)
      %dma_wait3A_55 = arith.constant 0 : i32
      %dma_wait3A_56 = arith.constant 0 : i32
      %dma_wait3A_57 = tpu.memref_slice %arg4[%arg1, %dma_wait3A_55, %dma_wait3A_56] : memref<16x125x80xi32, #tpu.memory_space<hbm>> -> memref<1x125x80xi32, #tpu.memory_space<hbm>>
      %dma_wait3A_58 = tpu.memref_squeeze %dma_wait3A_57 : memref<1x125x80xi32, #tpu.memory_space<hbm>> -> memref<125x80xi32, #tpu.memory_space<hbm>>
      %dma_wait3A_59 = arith.constant 0 : i32
      %dma_wait3A_60 = arith.constant 0 : i32
      %dma_wait3A_61 = tpu.memref_slice %arg4[%arg1, %dma_wait3A_59, %dma_wait3A_60] : memref<16x125x80xi32, #tpu.memory_space<hbm>> -> memref<1x125x80xi32, #tpu.memory_space<hbm>>
      %dma_wait3A_62 = tpu.memref_squeeze %dma_wait3A_61 : memref<1x125x80xi32, #tpu.memory_space<hbm>> -> memref<125x80xi32, #tpu.memory_space<hbm>>
      tpu.wait_dma2 semaphore(%run_scoped3A : memref<!tpu.dma_semaphore, #tpu.memory_space<semaphore_mem>>) src(%dma_wait3A_62 : memref<125x80xi32, #tpu.memory_space<hbm>>) dst(%arg7 : memref<125x80xi32, #tpu.memory_space<vmem>>)
      tpu.yield
    }) : () -> ()
    %mul3A = arith.constant 10240 : i32
    %mul3A_0 = arith.muli %arg0, %mul3A : i32
    %mul3A_1 = arith.constant 640 : i32
    %mul3A_2 = arith.muli %arg1, %mul3A_1 : i32
    %add3A = arith.addi %mul3A_0, %mul3A_2 : i32
    %mul3A_3 = arith.constant 640 : i32
    %mul3A_4 = arith.muli %arg1, %mul3A_3 : i32
    "tpu.region"() ({
      %run_scoped3A = tpu.sem_alloc : memref<!tpu.dma_semaphore, #tpu.memory_space<semaphore_mem>>
      %dma_start3A_47 = arith.constant 0 : i32
      %dma_start3A_48 = tpu.memref_slice %arg10[%mul3A_4, %dma_start3A_47] : memref<10240x128xf32, #tpu.memory_space<vmem_shared>> -> memref<640x128xf32, #tpu.memory_space<vmem_shared>>
      %dma_start3A_49 = arith.constant 0 : i32
      %dma_start3A_50 = tpu.memref_slice %arg2[%add3A, %dma_start3A_49] : memref<20480x128xf32, #tpu.memory_space<hbm>> -> memref<640x128xf32, #tpu.memory_space<hbm>>
      tpu.enqueue_dma source(%dma_start3A_50 : memref<640x128xf32, #tpu.memory_space<hbm>>) target(%dma_start3A_48 : memref<640x128xf32, #tpu.memory_space<vmem_shared>>) target_semaphore(%run_scoped3A : memref<!tpu.dma_semaphore, #tpu.memory_space<semaphore_mem>>)
      %dma_wait3A_51 = arith.constant 0 : i32
      %dma_wait3A_52 = tpu.memref_slice %arg10[%mul3A_4, %dma_wait3A_51] : memref<10240x128xf32, #tpu.memory_space<vmem_shared>> -> memref<640x128xf32, #tpu.memory_space<vmem_shared>>
      %dma_wait3A_53 = arith.constant 0 : i32
      %dma_wait3A_54 = tpu.memref_slice %arg2[%add3A, %dma_wait3A_53] : memref<20480x128xf32, #tpu.memory_space<hbm>> -> memref<640x128xf32, #tpu.memory_space<hbm>>
      tpu.wait_dma2 semaphore(%run_scoped3A : memref<!tpu.dma_semaphore, #tpu.memory_space<semaphore_mem>>) src(%dma_wait3A_54 : memref<640x128xf32, #tpu.memory_space<hbm>>) dst(%dma_wait3A_52 : memref<640x128xf32, #tpu.memory_space<vmem_shared>>)
      tpu.yield
    }) : () -> ()
    %eq3A = arith.constant 1 : i32
    %eq3A_5 = arith.cmpi eq, %arg0, %eq3A : i32
    %convert_element_type3A = arith.extui %eq3A_5 : i1 to i32
    %cond3A = arith.constant 0 : i32
    %cond3A_6 = arith.cmpi ne, %convert_element_type3A, %cond3A : i32
    scf.if %cond3A_6 {
      %scan3A_47 = arith.constant 0 : i32
      %scan3A_48 = arith.constant 0 : i32
      %scan3A_49 = arith.constant 625 : i32
      %scan3A_50 = arith.addi %scan3A_48, %scan3A_49 : i32
      %scan3A_51 = arith.constant 1 : i32
      scf.for %scan3A_53 = %scan3A_48 to %scan3A_50 step %scan3A_51  : i32 {
        %mul3A_54 = arith.constant 16 : i32
        %mul3A_55 = arith.muli %scan3A_53, %mul3A_54 : i32
        %get3A = arith.index_cast %mul3A_55 : i32 to index
        %get3A_56 = tpu.vector_load %arg6[%get3A] {strides = array<i32>} : memref<10000xi32, #tpu.memory_space<vmem>>, vector<16xi32>,
        %add3A_57 = arith.constant 10240 : i32
        %add3A_58 = vector.broadcast %add3A_57 : i32 to vector<16xi32>
        %add3A_59 = arith.addi %get3A_56, %add3A_58 : vector<16xi32>
        %swap3A = arith.index_cast %mul3A_55 : i32 to index
        %swap3A_60 = tpu.vector_load %arg6[%swap3A] {strides = array<i32>} : memref<10000xi32, #tpu.memory_space<vmem>>, vector<16xi32>,
        tpu.vector_store %arg6[%swap3A], %add3A_59 {strides = array<i32>} : memref<10000xi32, #tpu.memory_space<vmem>>, vector<16xi32>,
      }
      %scan3A_52 = arith.constant 625 : i32
    } else {
    }
    %barrier3A = arith.constant 0 : index
    tpu.barrier barrier_id(%barrier3A)
    %dma_start3A = arith.constant 0 : i32
    %dma_start3A_7 = tpu.memref_slice %arg6[%dma_start3A] : memref<10000xi32, #tpu.memory_space<vmem>> -> memref<80xi32, #tpu.memory_space<vmem>>
    %dma_start3A_8 = arith.constant 0 : i32
    %dma_start3A_9 = arith.constant 0 : i32
    %dma_start3A_10 = tpu.memref_slice %arg2[%dma_start3A_8, %dma_start3A_9] : memref<20480x128xf32, #tpu.memory_space<hbm>> -> memref<20480x128xf32, #tpu.memory_space<hbm>>
    tpu.enqueue_indirect_dma source(%dma_start3A_10 : memref<20480x128xf32, #tpu.memory_space<hbm>>) target(%arg8 : memref<80x128xf32, #tpu.memory_space<vmem>>) offsets(%dma_start3A_7 : memref<80xi32, #tpu.memory_space<vmem>>) semaphore(%arg11 : memref<!tpu.dma_semaphore, #tpu.memory_space<semaphore_mem>>)
    %dma_start3A_11 = arith.constant 80 : i32
    %dma_start3A_12 = tpu.memref_slice %arg6[%dma_start3A_11] : memref<10000xi32, #tpu.memory_space<vmem>> -> memref<80xi32, #tpu.memory_space<vmem>>
    %dma_start3A_13 = arith.constant 0 : i32
    %dma_start3A_14 = arith.constant 0 : i32
    %dma_start3A_15 = tpu.memref_slice %arg2[%dma_start3A_13, %dma_start3A_14] : memref<20480x128xf32, #tpu.memory_space<hbm>> -> memref<20480x128xf32, #tpu.memory_space<hbm>>
    tpu.enqueue_indirect_dma source(%dma_start3A_15 : memref<20480x128xf32, #tpu.memory_space<hbm>>) target(%arg9 : memref<80x128xf32, #tpu.memory_space<vmem>>) offsets(%dma_start3A_12 : memref<80xi32, #tpu.memory_space<vmem>>) semaphore(%arg12 : memref<!tpu.dma_semaphore, #tpu.memory_space<semaphore_mem>>)
    %scan3A = arith.constant 0 : i32
    %scan3A_16 = arith.constant 0 : i32
    %scan3A_17 = arith.constant 62 : i32
    %scan3A_18 = arith.addi %scan3A_16, %scan3A_17 : i32
    %scan3A_19 = arith.constant 1 : i32
    scf.for %scan3A_47 = %scan3A_16 to %scan3A_18 step %scan3A_19  : i32 {
      %mul3A_48 = arith.constant 2 : i32
      %mul3A_49 = arith.muli %mul3A_48, %scan3A_47 : i32
      %dma_wait3A_50 = arith.constant 0 : i32
      %dma_wait3A_51 = arith.constant 0 : i32
      %dma_wait3A_52 = tpu.memref_slice %arg2[%dma_wait3A_50, %dma_wait3A_51] : memref<20480x128xf32, #tpu.memory_space<hbm>> -> memref<80x128xf32, #tpu.memory_space<hbm>>
      %dma_wait3A_53 = arith.constant 0 : i32
      %dma_wait3A_54 = arith.constant 0 : i32
      %dma_wait3A_55 = tpu.memref_slice %arg2[%dma_wait3A_53, %dma_wait3A_54] : memref<20480x128xf32, #tpu.memory_space<hbm>> -> memref<80x128xf32, #tpu.memory_space<hbm>>
      tpu.wait_dma2 semaphore(%arg11 : memref<!tpu.dma_semaphore, #tpu.memory_space<semaphore_mem>>) src(%dma_wait3A_55 : memref<80x128xf32, #tpu.memory_space<hbm>>) dst(%arg8 : memref<80x128xf32, #tpu.memory_space<vmem>>)
      %dma_start3A_56 = arith.constant 0 : i32
      %dma_start3A_57 = tpu.memref_slice %arg7[%mul3A_49, %dma_start3A_56] : memref<125x80xi32, #tpu.memory_space<vmem>> -> memref<1x80xi32, #tpu.memory_space<vmem>>
      %dma_start3A_58 = tpu.memref_squeeze %dma_start3A_57 : memref<1x80xi32, #tpu.memory_space<vmem>> -> memref<80xi32, #tpu.memory_space<vmem>>
      %dma_start3A_59 = arith.constant 0 : i32
      %dma_start3A_60 = arith.constant 0 : i32
      %dma_start3A_61 = tpu.memref_slice %arg10[%dma_start3A_59, %dma_start3A_60] : memref<10240x128xf32, #tpu.memory_space<vmem_shared>> -> memref<10240x128xf32, #tpu.memory_space<vmem_shared>>
      tpu.enqueue_indirect_dma source(%arg8 : memref<80x128xf32, #tpu.memory_space<vmem>>) target(%dma_start3A_61 : memref<10240x128xf32, #tpu.memory_space<vmem_shared>>) offsets(%dma_start3A_58 : memref<80xi32, #tpu.memory_space<vmem>>) semaphore(%arg13 : memref<!tpu.dma_semaphore, #tpu.memory_space<semaphore_mem>>) {add = true}
      %dma_wait3A_62 = arith.constant 0 : i32
      %dma_wait3A_63 = arith.constant 0 : i32
      %dma_wait3A_64 = tpu.memref_slice %arg2[%dma_wait3A_62, %dma_wait3A_63] : memref<20480x128xf32, #tpu.memory_space<hbm>> -> memref<80x128xf32, #tpu.memory_space<hbm>>
      %dma_wait3A_65 = arith.constant 0 : i32
      %dma_wait3A_66 = arith.constant 0 : i32
      %dma_wait3A_67 = tpu.memref_slice %arg2[%dma_wait3A_65, %dma_wait3A_66] : memref<20480x128xf32, #tpu.memory_space<hbm>> -> memref<80x128xf32, #tpu.memory_space<hbm>>
      tpu.wait_dma2 semaphore(%arg12 : memref<!tpu.dma_semaphore, #tpu.memory_space<semaphore_mem>>) src(%dma_wait3A_67 : memref<80x128xf32, #tpu.memory_space<hbm>>) dst(%arg9 : memref<80x128xf32, #tpu.memory_space<vmem>>)
      %add3A_68 = arith.constant 1 : i32
      %add3A_69 = arith.addi %mul3A_49, %add3A_68 : i32
      %dma_start3A_70 = arith.constant 0 : i32
      %dma_start3A_71 = tpu.memref_slice %arg7[%add3A_69, %dma_start3A_70] : memref<125x80xi32, #tpu.memory_space<vmem>> -> memref<1x80xi32, #tpu.memory_space<vmem>>
      %dma_start3A_72 = tpu.memref_squeeze %dma_start3A_71 : memref<1x80xi32, #tpu.memory_space<vmem>> -> memref<80xi32, #tpu.memory_space<vmem>>
      %dma_start3A_73 = arith.constant 0 : i32
      %dma_start3A_74 = arith.constant 0 : i32
      %dma_start3A_75 = tpu.memref_slice %arg10[%dma_start3A_73, %dma_start3A_74] : memref<10240x128xf32, #tpu.memory_space<vmem_shared>> -> memref<10240x128xf32, #tpu.memory_space<vmem_shared>>
      tpu.enqueue_indirect_dma source(%arg9 : memref<80x128xf32, #tpu.memory_space<vmem>>) target(%dma_start3A_75 : memref<10240x128xf32, #tpu.memory_space<vmem_shared>>) offsets(%dma_start3A_72 : memref<80xi32, #tpu.memory_space<vmem>>) semaphore(%arg14 : memref<!tpu.dma_semaphore, #tpu.memory_space<semaphore_mem>>) {add = true}
      %dma_wait3A_76 = arith.constant 0 : i32
      %dma_wait3A_77 = arith.constant 0 : i32
      %dma_wait3A_78 = tpu.memref_slice %arg2[%dma_wait3A_76, %dma_wait3A_77] : memref<20480x128xf32, #tpu.memory_space<hbm>> -> memref<80x128xf32, #tpu.memory_space<hbm>>
      %dma_wait3A_79 = arith.constant 0 : i32
      %dma_wait3A_80 = arith.constant 0 : i32
      %dma_wait3A_81 = tpu.memref_slice %arg2[%dma_wait3A_79, %dma_wait3A_80] : memref<20480x128xf32, #tpu.memory_space<hbm>> -> memref<80x128xf32, #tpu.memory_space<hbm>>
      tpu.wait_dma2 semaphore(%arg13 : memref<!tpu.dma_semaphore, #tpu.memory_space<semaphore_mem>>) src(%dma_wait3A_81 : memref<80x128xf32, #tpu.memory_space<hbm>>) dst(%arg8 : memref<80x128xf32, #tpu.memory_space<vmem>>)
      %add3A_82 = arith.constant 2 : i32
      %add3A_83 = arith.addi %mul3A_49, %add3A_82 : i32
      %mul3A_84 = arith.constant 80 : i32
      %mul3A_85 = arith.muli %add3A_83, %mul3A_84 : i32
      %dma_start3A_86 = tpu.memref_slice %arg6[%mul3A_85] : memref<10000xi32, #tpu.memory_space<vmem>> -> memref<80xi32, #tpu.memory_space<vmem>>
      %dma_start3A_87 = arith.constant 0 : i32
      %dma_start3A_88 = arith.constant 0 : i32
      %dma_start3A_89 = tpu.memref_slice %arg2[%dma_start3A_87, %dma_start3A_88] : memref<20480x128xf32, #tpu.memory_space<hbm>> -> memref<20480x128xf32, #tpu.memory_space<hbm>>
      tpu.enqueue_indirect_dma source(%dma_start3A_89 : memref<20480x128xf32, #tpu.memory_space<hbm>>) target(%arg8 : memref<80x128xf32, #tpu.memory_space<vmem>>) offsets(%dma_start3A_86 : memref<80xi32, #tpu.memory_space<vmem>>) semaphore(%arg11 : memref<!tpu.dma_semaphore, #tpu.memory_space<semaphore_mem>>)
      %dma_wait3A_90 = arith.constant 0 : i32
      %dma_wait3A_91 = arith.constant 0 : i32
      %dma_wait3A_92 = tpu.memref_slice %arg2[%dma_wait3A_90, %dma_wait3A_91] : memref<20480x128xf32, #tpu.memory_space<hbm>> -> memref<80x128xf32, #tpu.memory_space<hbm>>
      %dma_wait3A_93 = arith.constant 0 : i32
      %dma_wait3A_94 = arith.constant 0 : i32
      %dma_wait3A_95 = tpu.memref_slice %arg2[%dma_wait3A_93, %dma_wait3A_94] : memref<20480x128xf32, #tpu.memory_space<hbm>> -> memref<80x128xf32, #tpu.memory_space<hbm>>
      tpu.wait_dma2 semaphore(%arg14 : memref<!tpu.dma_semaphore, #tpu.memory_space<semaphore_mem>>) src(%dma_wait3A_95 : memref<80x128xf32, #tpu.memory_space<hbm>>) dst(%arg9 : memref<80x128xf32, #tpu.memory_space<vmem>>)
      %add3A_96 = arith.constant 3 : i32
      %add3A_97 = arith.addi %mul3A_49, %add3A_96 : i32
      %lt3A = arith.constant 125 : i32
      %lt3A_98 = arith.cmpi slt, %add3A_97, %lt3A : i32
      %convert_element_type3A_99 = arith.extui %lt3A_98 : i1 to i32
      %cond3A_100 = arith.constant 0 : i32
      %cond3A_101 = arith.cmpi ne, %convert_element_type3A_99, %cond3A_100 : i32
      scf.if %cond3A_101 {
        %add3A_102 = arith.constant 3 : i32
        %add3A_103 = arith.addi %mul3A_49, %add3A_102 : i32
        %mul3A_104 = arith.constant 80 : i32
        %mul3A_105 = arith.muli %add3A_103, %mul3A_104 : i32
        %dma_start3A_106 = tpu.memref_slice %arg6[%mul3A_105] : memref<10000xi32, #tpu.memory_space<vmem>> -> memref<80xi32, #tpu.memory_space<vmem>>
        %dma_start3A_107 = arith.constant 0 : i32
        %dma_start3A_108 = arith.constant 0 : i32
        %dma_start3A_109 = tpu.memref_slice %arg2[%dma_start3A_107, %dma_start3A_108] : memref<20480x128xf32, #tpu.memory_space<hbm>> -> memref<20480x128xf32, #tpu.memory_space<hbm>>
        tpu.enqueue_indirect_dma source(%dma_start3A_109 : memref<20480x128xf32, #tpu.memory_space<hbm>>) target(%arg9 : memref<80x128xf32, #tpu.memory_space<vmem>>) offsets(%dma_start3A_106 : memref<80xi32, #tpu.memory_space<vmem>>) semaphore(%arg12 : memref<!tpu.dma_semaphore, #tpu.memory_space<semaphore_mem>>)
      } else {
      }
    }
    %scan3A_20 = arith.constant 62 : i32
    %dma_wait3A = arith.constant 0 : i32
    %dma_wait3A_21 = arith.constant 0 : i32
    %dma_wait3A_22 = tpu.memref_slice %arg2[%dma_wait3A, %dma_wait3A_21] : memref<20480x128xf32, #tpu.memory_space<hbm>> -> memref<80x128xf32, #tpu.memory_space<hbm>>
    %dma_wait3A_23 = arith.constant 0 : i32
    %dma_wait3A_24 = arith.constant 0 : i32
    %dma_wait3A_25 = tpu.memref_slice %arg2[%dma_wait3A_23, %dma_wait3A_24] : memref<20480x128xf32, #tpu.memory_space<hbm>> -> memref<80x128xf32, #tpu.memory_space<hbm>>
    tpu.wait_dma2 semaphore(%arg11 : memref<!tpu.dma_semaphore, #tpu.memory_space<semaphore_mem>>) src(%dma_wait3A_25 : memref<80x128xf32, #tpu.memory_space<hbm>>) dst(%arg8 : memref<80x128xf32, #tpu.memory_space<vmem>>)
    %dma_start3A_26 = arith.constant 124 : i32
    %dma_start3A_27 = arith.constant 0 : i32
    %dma_start3A_28 = tpu.memref_slice %arg7[%dma_start3A_26, %dma_start3A_27] : memref<125x80xi32, #tpu.memory_space<vmem>> -> memref<1x80xi32, #tpu.memory_space<vmem>>
    %dma_start3A_29 = tpu.memref_squeeze %dma_start3A_28 : memref<1x80xi32, #tpu.memory_space<vmem>> -> memref<80xi32, #tpu.memory_space<vmem>>
    %dma_start3A_30 = arith.constant 0 : i32
    %dma_start3A_31 = arith.constant 0 : i32
    %dma_start3A_32 = tpu.memref_slice %arg10[%dma_start3A_30, %dma_start3A_31] : memref<10240x128xf32, #tpu.memory_space<vmem_shared>> -> memref<10240x128xf32, #tpu.memory_space<vmem_shared>>
    tpu.enqueue_indirect_dma source(%arg8 : memref<80x128xf32, #tpu.memory_space<vmem>>) target(%dma_start3A_32 : memref<10240x128xf32, #tpu.memory_space<vmem_shared>>) offsets(%dma_start3A_29 : memref<80xi32, #tpu.memory_space<vmem>>) semaphore(%arg13 : memref<!tpu.dma_semaphore, #tpu.memory_space<semaphore_mem>>) {add = true}
    %dma_wait3A_33 = arith.constant 0 : i32
    %dma_wait3A_34 = arith.constant 0 : i32
    %dma_wait3A_35 = tpu.memref_slice %arg2[%dma_wait3A_33, %dma_wait3A_34] : memref<20480x128xf32, #tpu.memory_space<hbm>> -> memref<80x128xf32, #tpu.memory_space<hbm>>
    %dma_wait3A_36 = arith.constant 0 : i32
    %dma_wait3A_37 = arith.constant 0 : i32
    %dma_wait3A_38 = tpu.memref_slice %arg2[%dma_wait3A_36, %dma_wait3A_37] : memref<20480x128xf32, #tpu.memory_space<hbm>> -> memref<80x128xf32, #tpu.memory_space<hbm>>
    tpu.wait_dma2 semaphore(%arg13 : memref<!tpu.dma_semaphore, #tpu.memory_space<semaphore_mem>>) src(%dma_wait3A_38 : memref<80x128xf32, #tpu.memory_space<hbm>>) dst(%arg8 : memref<80x128xf32, #tpu.memory_space<vmem>>)
    %barrier3A_39 = arith.constant 0 : index
    tpu.barrier barrier_id(%barrier3A_39)
    %mul3A_40 = arith.constant 640 : i32
    %mul3A_41 = arith.muli %arg1, %mul3A_40 : i32
    %mul3A_42 = arith.constant 10240 : i32
    %mul3A_43 = arith.muli %arg0, %mul3A_42 : i32
    %mul3A_44 = arith.constant 640 : i32
    %mul3A_45 = arith.muli %arg1, %mul3A_44 : i32
    %add3A_46 = arith.addi %mul3A_43, %mul3A_45 : i32
    "tpu.region"() ({
      %run_scoped3A = tpu.sem_alloc : memref<!tpu.dma_semaphore, #tpu.memory_space<semaphore_mem>>
      %dma_start3A_47 = arith.constant 0 : i32
      %dma_start3A_48 = tpu.memref_slice %arg5[%add3A_46, %dma_start3A_47] : memref<20480x128xf32, #tpu.memory_space<hbm>> -> memref<640x128xf32, #tpu.memory_space<hbm>>
      %dma_start3A_49 = arith.constant 0 : i32
      %dma_start3A_50 = tpu.memref_slice %arg10[%mul3A_41, %dma_start3A_49] : memref<10240x128xf32, #tpu.memory_space<vmem_shared>> -> memref<640x128xf32, #tpu.memory_space<vmem_shared>>
      tpu.enqueue_dma source(%dma_start3A_50 : memref<640x128xf32, #tpu.memory_space<vmem_shared>>) target(%dma_start3A_48 : memref<640x128xf32, #tpu.memory_space<hbm>>) target_semaphore(%run_scoped3A : memref<!tpu.dma_semaphore, #tpu.memory_space<semaphore_mem>>)
      %dma_wait3A_51 = arith.constant 0 : i32
      %dma_wait3A_52 = tpu.memref_slice %arg5[%add3A_46, %dma_wait3A_51] : memref<20480x128xf32, #tpu.memory_space<hbm>> -> memref<640x128xf32, #tpu.memory_space<hbm>>
      %dma_wait3A_53 = arith.constant 0 : i32
      %dma_wait3A_54 = tpu.memref_slice %arg10[%mul3A_41, %dma_wait3A_53] : memref<10240x128xf32, #tpu.memory_space<vmem_shared>> -> memref<640x128xf32, #tpu.memory_space<vmem_shared>>
      tpu.wait_dma2 semaphore(%run_scoped3A : memref<!tpu.dma_semaphore, #tpu.memory_space<semaphore_mem>>) src(%dma_wait3A_54 : memref<640x128xf32, #tpu.memory_space<vmem_shared>>) dst(%dma_wait3A_52 : memref<640x128xf32, #tpu.memory_space<hbm>>)
      tpu.yield
    }) : () -> ()
    return
  }
}

module attributes {stable_mosaic.version = 14 : i64} {
  func.func @_tc_body(%arg0: i32, %arg1: memref<2048x128xf32, #tpu.memory_space<vmem>>, %arg2: memref<2048x128xf32, #tpu.memory_space<vmem>>, %arg3: memref<2048x64xf32, #tpu.memory_space<vmem>>, %arg4: memref<2048x4xf32, #tpu.memory_space<vmem>>, %arg5: memref<2048x1xi32, #tpu.memory_space<vmem>>, %arg6: memref<128x512xf32, #tpu.memory_space<vmem>>, %arg7: memref<128x512xf32, #tpu.memory_space<vmem>>, %arg8: memref<4x512xf32, #tpu.memory_space<vmem>>, %arg9: memref<1x512xf32, #tpu.memory_space<vmem>>, %arg10: memref<512x512xf32, #tpu.memory_space<vmem>>, %arg11: memref<4x512xf32, #tpu.memory_space<vmem>>, %arg12: memref<1x512xf32, #tpu.memory_space<vmem>>, %arg13: memref<512x40xf32, #tpu.memory_space<vmem>>, %arg14: memref<1x40xf32, #tpu.memory_space<vmem>>, %arg15: memref<64x40xf32, #tpu.memory_space<vmem>>, %arg16: memref<64x512xf32, #tpu.memory_space<vmem>>, %arg17: memref<64x8xf32, #tpu.memory_space<vmem>>) attributes {dimension_semantics = [#tpu.dimension_semantics<arbitrary>], iteration_bounds = array<i64: 5>, scalar_prefetch = 0 : i64, scratch_operands = 2 : i64, tpu.core_type = #tpu.core_type<tc>, window_params = [{transform_indices = @transform_0, window_bounds = array<i64: 2048, 128>}, {transform_indices = @transform_1, window_bounds = array<i64: 2048, 128>}, {transform_indices = @transform_2, window_bounds = array<i64: 2048, 64>}, {transform_indices = @transform_3, window_bounds = array<i64: 2048, 4>}, {transform_indices = @transform_4, window_bounds = array<i64: 2048, 1>}, {pipeline_mode = #tpu.pipeline_mode<synchronous>, transform_indices = @transform_5, window_bounds = array<i64: 128, 512>}, {pipeline_mode = #tpu.pipeline_mode<synchronous>, transform_indices = @transform_6, window_bounds = array<i64: 128, 512>}, {pipeline_mode = #tpu.pipeline_mode<synchronous>, transform_indices = @transform_7, window_bounds = array<i64: 4, 512>}, {pipeline_mode = #tpu.pipeline_mode<synchronous>, transform_indices = @transform_8, window_bounds = array<i64: 1, 512>}, {pipeline_mode = #tpu.pipeline_mode<synchronous>, transform_indices = @transform_9, window_bounds = array<i64: 512, 512>}, {pipeline_mode = #tpu.pipeline_mode<synchronous>, transform_indices = @transform_10, window_bounds = array<i64: 4, 512>}, {pipeline_mode = #tpu.pipeline_mode<synchronous>, transform_indices = @transform_11, window_bounds = array<i64: 1, 512>}, {pipeline_mode = #tpu.pipeline_mode<synchronous>, transform_indices = @transform_12, window_bounds = array<i64: 512, 40>}, {pipeline_mode = #tpu.pipeline_mode<synchronous>, transform_indices = @transform_13, window_bounds = array<i64: 1, 40>}, {pipeline_mode = #tpu.pipeline_mode<synchronous>, transform_indices = @transform_14, window_bounds = array<i64: 64, 40>}]} {
    %eq3A = arith.constant 0 : i32
    %eq3A_0 = arith.cmpi eq, %arg0, %eq3A : i32
    %convert_element_type3A = arith.extui %eq3A_0 : i1 to i32
    %cond3A = arith.constant 0 : i32
    %cond3A_1 = arith.cmpi ne, %convert_element_type3A, %cond3A : i32
    scf.if %cond3A_1 {
      %broadcast_in_dim3A_72 = arith.constant 0.000000e+00 : f32
      %broadcast_in_dim3A_73 = vector.broadcast %broadcast_in_dim3A_72 : f32 to vector<64x512xf32>
      %swap3A_74 = arith.constant 0 : index
      %swap3A_75 = arith.constant 0 : index
      %swap3A_76 = vector.load %arg16[%swap3A_74, %swap3A_75] : memref<64x512xf32, #tpu.memory_space<vmem>>, vector<64x512xf32>
      tpu.vector_store %arg16[%swap3A_74, %swap3A_75], %broadcast_in_dim3A_73 {strides = array<i32>} : memref<64x512xf32, #tpu.memory_space<vmem>>, vector<64x512xf32>,
      %broadcast_in_dim3A_77 = arith.constant 0.000000e+00 : f32
      %broadcast_in_dim3A_78 = vector.broadcast %broadcast_in_dim3A_77 : f32 to vector<64x8xf32>
      %swap3A_79 = arith.constant 0 : index
      %swap3A_80 = arith.constant 0 : index
      %swap3A_81 = vector.load %arg17[%swap3A_79, %swap3A_80] : memref<64x8xf32, #tpu.memory_space<vmem>>, vector<64x8xf32>
      tpu.vector_store %arg17[%swap3A_79, %swap3A_80], %broadcast_in_dim3A_78 {strides = array<i32>} : memref<64x8xf32, #tpu.memory_space<vmem>>, vector<64x8xf32>,
    } else {
    }
    %get3A = arith.constant 0 : index
    %get3A_2 = arith.constant 0 : index
    %get3A_3 = vector.load %arg1[%get3A, %get3A_2] : memref<2048x128xf32, #tpu.memory_space<vmem>>, vector<2048x128xf32>
    %get3A_4 = arith.constant 0 : index
    %get3A_5 = arith.constant 0 : index
    %get3A_6 = vector.load %arg6[%get3A_4, %get3A_5] : memref<128x512xf32, #tpu.memory_space<vmem>>, vector<128x512xf32>
    %dot_general3A = arith.constant dense<0.000000e+00> : vector<2048x512xf32>
    %dot_general3A_7 = tpu.matmul %get3A_3, %get3A_6, %dot_general3A {dimension_numbers = #tpu.dot_dimension_numbers<[1], [0], [0], [1], [0, 0, 1, 1], [], []>, transpose_lhs_hint = false} : vector<2048x128xf32>, vector<128x512xf32>, vector<2048x512xf32> -> vector<2048x512xf32>
    %get3A_8 = arith.constant 0 : index
    %get3A_9 = arith.constant 0 : index
    %get3A_10 = vector.load %arg2[%get3A_8, %get3A_9] : memref<2048x128xf32, #tpu.memory_space<vmem>>, vector<2048x128xf32>
    %get3A_11 = arith.constant 0 : index
    %get3A_12 = arith.constant 0 : index
    %get3A_13 = vector.load %arg7[%get3A_11, %get3A_12] : memref<128x512xf32, #tpu.memory_space<vmem>>, vector<128x512xf32>
    %dot_general3A_14 = arith.constant dense<0.000000e+00> : vector<2048x512xf32>
    %dot_general3A_15 = tpu.matmul %get3A_10, %get3A_13, %dot_general3A_14 {dimension_numbers = #tpu.dot_dimension_numbers<[1], [0], [0], [1], [0, 0, 1, 1], [], []>, transpose_lhs_hint = false} : vector<2048x128xf32>, vector<128x512xf32>, vector<2048x512xf32> -> vector<2048x512xf32>
    %add3A = arith.addf %dot_general3A_7, %dot_general3A_15 : vector<2048x512xf32>
    %get3A_16 = arith.constant 0 : index
    %get3A_17 = arith.constant 0 : index
    %get3A_18 = vector.load %arg4[%get3A_16, %get3A_17] : memref<2048x4xf32, #tpu.memory_space<vmem>>, vector<2048x4xf32>
    %get3A_19 = arith.constant 0 : index
    %get3A_20 = arith.constant 0 : index
    %get3A_21 = vector.load %arg8[%get3A_19, %get3A_20] : memref<4x512xf32, #tpu.memory_space<vmem>>, vector<4x512xf32>
    %dot_general3A_22 = arith.constant dense<0.000000e+00> : vector<2048x512xf32>
    %dot_general3A_23 = tpu.matmul %get3A_18, %get3A_21, %dot_general3A_22 {dimension_numbers = #tpu.dot_dimension_numbers<[1], [0], [0], [1], [0, 0, 1, 1], [], []>, transpose_lhs_hint = false} : vector<2048x4xf32>, vector<4x512xf32>, vector<2048x512xf32> -> vector<2048x512xf32>
    %add3A_24 = arith.addf %add3A, %dot_general3A_23 : vector<2048x512xf32>
    %get3A_25 = arith.constant 0 : index
    %get3A_26 = arith.constant 0 : index
    %get3A_27 = vector.load %arg9[%get3A_25, %get3A_26] : memref<1x512xf32, #tpu.memory_space<vmem>>, vector<1x512xf32>
    %add3A_28 = vector.broadcast %get3A_27 : vector<1x512xf32> to vector<2048x512xf32>
    %add3A_29 = arith.addf %add3A_24, %add3A_28 : vector<2048x512xf32>
    %max3A = arith.constant 0.000000e+00 : f32
    %max3A_30 = vector.broadcast %max3A : f32 to vector<2048x512xf32>
    %max3A_31 = arith.maximumf %add3A_29, %max3A_30 : vector<2048x512xf32>
    %iota3A = tpu.iota {dimensions = array<i32: 1>} : vector<1x64xi32>
    %get3A_32 = arith.constant 0 : index
    %get3A_33 = arith.constant 0 : index
    %get3A_34 = vector.load %arg5[%get3A_32, %get3A_33] : memref<2048x1xi32, #tpu.memory_space<vmem>>, vector<2048x1xi32>
    %eq3A_35 = vector.broadcast %get3A_34 : vector<2048x1xi32> to vector<2048x64xi32>
    %eq3A_36 = vector.broadcast %iota3A : vector<1x64xi32> to vector<2048x64xi32>
    %eq3A_37 = arith.cmpi eq, %eq3A_35, %eq3A_36 : vector<2048x64xi32>
    %convert_element_type3A_38 = arith.extui %eq3A_37 : vector<2048x64xi1> to vector<2048x64xi32>
    %convert_element_type3A_39 = arith.sitofp %convert_element_type3A_38 : vector<2048x64xi32> to vector<2048x64xf32>
    %get3A_40 = arith.constant 0 : index
    %get3A_41 = arith.constant 0 : index
    %get3A_42 = vector.load %arg3[%get3A_40, %get3A_41] : memref<2048x64xf32, #tpu.memory_space<vmem>>, vector<2048x64xf32>
    %add3A_43 = arith.addf %convert_element_type3A_39, %get3A_42 : vector<2048x64xf32>
    %get3A_44 = arith.constant 0 : index
    %get3A_45 = arith.constant 0 : index
    %get3A_46 = vector.load %arg16[%get3A_44, %get3A_45] : memref<64x512xf32, #tpu.memory_space<vmem>>, vector<64x512xf32>
    %dot_general3A_47 = arith.constant dense<0.000000e+00> : vector<64x512xf32>
    %dot_general3A_48 = tpu.matmul %add3A_43, %max3A_31, %dot_general3A_47 {dimension_numbers = #tpu.dot_dimension_numbers<[0], [0], [1], [1], [0, 1, 1, 1], [], []>, transpose_lhs_hint = false} : vector<2048x64xf32>, vector<2048x512xf32>, vector<64x512xf32> -> vector<64x512xf32>
    %add3A_49 = arith.addf %get3A_46, %dot_general3A_48 : vector<64x512xf32>
    %swap3A = arith.constant 0 : index
    %swap3A_50 = arith.constant 0 : index
    %swap3A_51 = vector.load %arg16[%swap3A, %swap3A_50] : memref<64x512xf32, #tpu.memory_space<vmem>>, vector<64x512xf32>
    tpu.vector_store %arg16[%swap3A, %swap3A_50], %add3A_49 {strides = array<i32>} : memref<64x512xf32, #tpu.memory_space<vmem>>, vector<64x512xf32>,
    %get3A_52 = arith.constant 0 : index
    %get3A_53 = arith.constant 0 : index
    %get3A_54 = vector.load %arg4[%get3A_52, %get3A_53] : memref<2048x4xf32, #tpu.memory_space<vmem>>, vector<2048x4xf32>
    %broadcast_in_dim3A = arith.constant 1.000000e+00 : f32
    %broadcast_in_dim3A_55 = vector.broadcast %broadcast_in_dim3A : f32 to vector<2048x1xf32>
    %broadcast_in_dim3A_56 = arith.constant 0.000000e+00 : f32
    %broadcast_in_dim3A_57 = vector.broadcast %broadcast_in_dim3A_56 : f32 to vector<2048x3xf32>
    %concatenate3A = tpu.concatenate %get3A_54, %broadcast_in_dim3A_55, %broadcast_in_dim3A_57 in 1 : vector<2048x4xf32>, vector<2048x1xf32>, vector<2048x3xf32> -> vector<2048x8xf32>
    %get3A_58 = arith.constant 0 : index
    %get3A_59 = arith.constant 0 : index
    %get3A_60 = vector.load %arg17[%get3A_58, %get3A_59] : memref<64x8xf32, #tpu.memory_space<vmem>>, vector<64x8xf32>
    %dot_general3A_61 = arith.constant dense<0.000000e+00> : vector<64x8xf32>
    %dot_general3A_62 = tpu.matmul %convert_element_type3A_39, %concatenate3A, %dot_general3A_61 {dimension_numbers = #tpu.dot_dimension_numbers<[0], [0], [1], [1], [0, 1, 1, 1], [], []>, transpose_lhs_hint = false} : vector<2048x64xf32>, vector<2048x8xf32>, vector<64x8xf32> -> vector<64x8xf32>
    %add3A_63 = arith.addf %get3A_60, %dot_general3A_62 : vector<64x8xf32>
    %swap3A_64 = arith.constant 0 : index
    %swap3A_65 = arith.constant 0 : index
    %swap3A_66 = vector.load %arg17[%swap3A_64, %swap3A_65] : memref<64x8xf32, #tpu.memory_space<vmem>>, vector<64x8xf32>
    tpu.vector_store %arg17[%swap3A_64, %swap3A_65], %add3A_63 {strides = array<i32>} : memref<64x8xf32, #tpu.memory_space<vmem>>, vector<64x8xf32>,
    %eq3A_67 = arith.constant 4 : i32
    %eq3A_68 = arith.cmpi eq, %arg0, %eq3A_67 : i32
    %convert_element_type3A_69 = arith.extui %eq3A_68 : i1 to i32
    %cond3A_70 = arith.constant 0 : i32
    %cond3A_71 = arith.cmpi ne, %convert_element_type3A_69, %cond3A_70 : i32
    scf.if %cond3A_71 {
      %get3A_72 = arith.constant 0 : index
      %get3A_73 = arith.constant 0 : index
      %get3A_74 = vector.load %arg17[%get3A_72, %get3A_73] : memref<64x8xf32, #tpu.memory_space<vmem>>, vector<64x8xf32>
      %slice3A = vector.extract_strided_slice %get3A_74 {offsets = [0, 4], sizes = [64, 1], strides = [1, 1]} : vector<64x8xf32> to vector<64x1xf32>
      %max3A_75 = arith.constant 1.000000e+00 : f32
      %max3A_76 = vector.broadcast %max3A_75 : f32 to vector<64x1xf32>
      %max3A_77 = arith.maximumf %slice3A, %max3A_76 : vector<64x1xf32>
      %div3A = arith.constant 1.000000e+00 : f32
      %div3A_78 = vector.broadcast %div3A : f32 to vector<64x1xf32>
      %div3A_79 = arith.divf %div3A_78, %max3A_77 : vector<64x1xf32>
      %get3A_80 = arith.constant 0 : index
      %get3A_81 = arith.constant 0 : index
      %get3A_82 = vector.load %arg16[%get3A_80, %get3A_81] : memref<64x512xf32, #tpu.memory_space<vmem>>, vector<64x512xf32>
      %mul3A = vector.broadcast %div3A_79 : vector<64x1xf32> to vector<64x512xf32>
      %mul3A_83 = arith.mulf %get3A_82, %mul3A : vector<64x512xf32>
      %get3A_84 = arith.constant 0 : index
      %get3A_85 = arith.constant 0 : index
      %get3A_86 = vector.load %arg10[%get3A_84, %get3A_85] : memref<512x512xf32, #tpu.memory_space<vmem>>, vector<512x512xf32>
      %dot_general3A_87 = arith.constant dense<0.000000e+00> : vector<64x512xf32>
      %dot_general3A_88 = tpu.matmul %mul3A_83, %get3A_86, %dot_general3A_87 {dimension_numbers = #tpu.dot_dimension_numbers<[1], [0], [0], [1], [0, 0, 1, 1], [], []>, transpose_lhs_hint = false} : vector<64x512xf32>, vector<512x512xf32>, vector<64x512xf32> -> vector<64x512xf32>
      %slice3A_89 = vector.extract_strided_slice %get3A_74 {offsets = [0, 0], sizes = [64, 4], strides = [1, 1]} : vector<64x8xf32> to vector<64x4xf32>
      %mul3A_90 = vector.broadcast %div3A_79 : vector<64x1xf32> to vector<64x4xf32>
      %mul3A_91 = arith.mulf %slice3A_89, %mul3A_90 : vector<64x4xf32>
      %get3A_92 = arith.constant 0 : index
      %get3A_93 = arith.constant 0 : index
      %get3A_94 = vector.load %arg11[%get3A_92, %get3A_93] : memref<4x512xf32, #tpu.memory_space<vmem>>, vector<4x512xf32>
      %dot_general3A_95 = arith.constant dense<0.000000e+00> : vector<64x512xf32>
      %dot_general3A_96 = tpu.matmul %mul3A_91, %get3A_94, %dot_general3A_95 {dimension_numbers = #tpu.dot_dimension_numbers<[1], [0], [0], [1], [0, 0, 1, 1], [], []>, transpose_lhs_hint = false} : vector<64x4xf32>, vector<4x512xf32>, vector<64x512xf32> -> vector<64x512xf32>
      %add3A_97 = arith.addf %dot_general3A_88, %dot_general3A_96 : vector<64x512xf32>
      %get3A_98 = arith.constant 0 : index
      %get3A_99 = arith.constant 0 : index
      %get3A_100 = vector.load %arg12[%get3A_98, %get3A_99] : memref<1x512xf32, #tpu.memory_space<vmem>>, vector<1x512xf32>
      %add3A_101 = vector.broadcast %get3A_100 : vector<1x512xf32> to vector<64x512xf32>
      %add3A_102 = arith.addf %add3A_97, %add3A_101 : vector<64x512xf32>
      %get3A_103 = arith.constant 0 : index
      %get3A_104 = arith.constant 0 : index
      %get3A_105 = vector.load %arg13[%get3A_103, %get3A_104] : memref<512x40xf32, #tpu.memory_space<vmem>>, vector<512x40xf32>
      %dot_general3A_106 = arith.constant dense<0.000000e+00> : vector<64x40xf32>
      %dot_general3A_107 = tpu.matmul %add3A_102, %get3A_105, %dot_general3A_106 {dimension_numbers = #tpu.dot_dimension_numbers<[1], [0], [0], [1], [0, 0, 1, 1], [], []>, transpose_lhs_hint = false} : vector<64x512xf32>, vector<512x40xf32>, vector<64x40xf32> -> vector<64x40xf32>
      %get3A_108 = arith.constant 0 : index
      %get3A_109 = arith.constant 0 : index
      %get3A_110 = vector.load %arg14[%get3A_108, %get3A_109] : memref<1x40xf32, #tpu.memory_space<vmem>>, vector<1x40xf32>
      %add3A_111 = vector.broadcast %get3A_110 : vector<1x40xf32> to vector<64x40xf32>
      %add3A_112 = arith.addf %dot_general3A_107, %add3A_111 : vector<64x40xf32>
      %reduce_max3A = arith.constant dense<0xFF800000> : vector<64xf32>
      %reduce_max3A_113 = vector.multi_reduction <maximumf>, %add3A_112, %reduce_max3A [1] : vector<64x40xf32> to vector<64xf32>
      %broadcast_in_dim3A_114 = vector.shape_cast %reduce_max3A_113 : vector<64xf32> to vector<64x1xf32>
      %sub3A = vector.broadcast %broadcast_in_dim3A_114 : vector<64x1xf32> to vector<64x40xf32>
      %sub3A_115 = arith.subf %add3A_112, %sub3A : vector<64x40xf32>
      %exp3A = math.exp %sub3A_115 : vector<64x40xf32>
      %reduce_sum3A = arith.constant dense<0.000000e+00> : vector<64xf32>
      %reduce_sum3A_116 = vector.multi_reduction <add>, %exp3A, %reduce_sum3A [1] : vector<64x40xf32> to vector<64xf32>
      %broadcast_in_dim3A_117 = vector.shape_cast %reduce_sum3A_116 : vector<64xf32> to vector<64x1xf32>
      %log3A = math.log %broadcast_in_dim3A_117 : vector<64x1xf32>
      %sub3A_118 = vector.broadcast %broadcast_in_dim3A_114 : vector<64x1xf32> to vector<64x40xf32>
      %sub3A_119 = arith.subf %add3A_112, %sub3A_118 : vector<64x40xf32>
      %sub3A_120 = vector.broadcast %log3A : vector<64x1xf32> to vector<64x40xf32>
      %sub3A_121 = arith.subf %sub3A_119, %sub3A_120 : vector<64x40xf32>
      %swap3A_122 = arith.constant 0 : index
      %swap3A_123 = arith.constant 0 : index
      %swap3A_124 = vector.load %arg15[%swap3A_122, %swap3A_123] : memref<64x40xf32, #tpu.memory_space<vmem>>, vector<64x40xf32>
      tpu.vector_store %arg15[%swap3A_122, %swap3A_123], %sub3A_121 {strides = array<i32>} : memref<64x40xf32, #tpu.memory_space<vmem>>, vector<64x40xf32>,
    } else {
    }
    return
  }
  func.func @transform_0(%arg0: i32) -> (i32, i32) {
    %c0_i32 = arith.constant 0 : i32
    %c0_i32_0 = arith.constant 0 : i32
    return %arg0, %c0_i32 : i32, i32
  }
  func.func @transform_1(%arg0: i32) -> (i32, i32) {
    %add3A = arith.constant 5 : i32
    %add3A_0 = arith.addi %arg0, %add3A : i32
    %c0_i32 = arith.constant 0 : i32
    %c0_i32_1 = arith.constant 0 : i32
    return %add3A_0, %c0_i32 : i32, i32
  }
  func.func @transform_2(%arg0: i32) -> (i32, i32) {
    %c0_i32 = arith.constant 0 : i32
    %c0_i32_0 = arith.constant 0 : i32
    return %arg0, %c0_i32 : i32, i32
  }
  func.func @transform_3(%arg0: i32) -> (i32, i32) {
    %c0_i32 = arith.constant 0 : i32
    %c0_i32_0 = arith.constant 0 : i32
    return %arg0, %c0_i32 : i32, i32
  }
  func.func @transform_4(%arg0: i32) -> (i32, i32) {
    %c0_i32 = arith.constant 0 : i32
    %c0_i32_0 = arith.constant 0 : i32
    return %arg0, %c0_i32 : i32, i32
  }
  func.func @transform_5(%arg0: i32) -> (i32, i32) {
    %c0_i32 = arith.constant 0 : i32
    %c0_i32_0 = arith.constant 0 : i32
    %c0_i32_1 = arith.constant 0 : i32
    return %c0_i32, %c0_i32_0 : i32, i32
  }
  func.func @transform_6(%arg0: i32) -> (i32, i32) {
    %c0_i32 = arith.constant 0 : i32
    %c0_i32_0 = arith.constant 0 : i32
    %c0_i32_1 = arith.constant 0 : i32
    return %c0_i32, %c0_i32_0 : i32, i32
  }
  func.func @transform_7(%arg0: i32) -> (i32, i32) {
    %c0_i32 = arith.constant 0 : i32
    %c0_i32_0 = arith.constant 0 : i32
    %c0_i32_1 = arith.constant 0 : i32
    return %c0_i32, %c0_i32_0 : i32, i32
  }
  func.func @transform_8(%arg0: i32) -> (i32, i32) {
    %c0_i32 = arith.constant 0 : i32
    %c0_i32_0 = arith.constant 0 : i32
    %c0_i32_1 = arith.constant 0 : i32
    return %c0_i32, %c0_i32_0 : i32, i32
  }
  func.func @transform_9(%arg0: i32) -> (i32, i32) {
    %c0_i32 = arith.constant 0 : i32
    %c0_i32_0 = arith.constant 0 : i32
    %c0_i32_1 = arith.constant 0 : i32
    return %c0_i32, %c0_i32_0 : i32, i32
  }
  func.func @transform_10(%arg0: i32) -> (i32, i32) {
    %c0_i32 = arith.constant 0 : i32
    %c0_i32_0 = arith.constant 0 : i32
    %c0_i32_1 = arith.constant 0 : i32
    return %c0_i32, %c0_i32_0 : i32, i32
  }
  func.func @transform_11(%arg0: i32) -> (i32, i32) {
    %c0_i32 = arith.constant 0 : i32
    %c0_i32_0 = arith.constant 0 : i32
    %c0_i32_1 = arith.constant 0 : i32
    return %c0_i32, %c0_i32_0 : i32, i32
  }
  func.func @transform_12(%arg0: i32) -> (i32, i32) {
    %c0_i32 = arith.constant 0 : i32
    %c0_i32_0 = arith.constant 0 : i32
    %c0_i32_1 = arith.constant 0 : i32
    return %c0_i32, %c0_i32_0 : i32, i32
  }
  func.func @transform_13(%arg0: i32) -> (i32, i32) {
    %c0_i32 = arith.constant 0 : i32
    %c0_i32_0 = arith.constant 0 : i32
    %c0_i32_1 = arith.constant 0 : i32
    return %c0_i32, %c0_i32_0 : i32, i32
  }
  func.func @transform_14(%arg0: i32) -> (i32, i32) {
    %c0_i32 = arith.constant 0 : i32
    %c0_i32_0 = arith.constant 0 : i32
    %c0_i32_1 = arith.constant 0 : i32
    return %c0_i32, %c0_i32_0 : i32, i32
  }
}

</mosaic_0001>

<sc_bundles>
// kernel: kernel.5.cloned.1.call-start
scs
__scs_entry_jumppad:
0x0: {  	(pc) =	sbr.rel $0x88, $3  }
0x1: {  	(tag) =	ssettag $0x0;
	lr =	simm.s32 $0x1  }
0x2: {  	[smem:$0x3F97] =	sst lr;
	_ =	strace $0xD0000000  }
0x3: {  	_ = 	snop  }
0x4: {  	_ = 	snop  }
0x5: {  	_ = 	snop  }
0x6: {  	_ = 	snop  }
0x7: {  	_ = 	snop  }
__scs_overlays_trampoline_lowered:
0x8: {  	[smem:$0x3FA6] =	sst s0  }
0x9: {  	[smem:$0x3FA7] =	sst s1  }
0xa: {  	[smem:$0x3FA8] =	sst s2  }
0xb: {  	[smem:$0x3FA9] =	sst s3  }
0xc: {  	[smem:$0x3FAA] =	sst s4  }
0xd: {  	[smem:$0x3FAB] =	sst s5  }
0xe: {  	[smem:$0x3FAC] =	sst s6  }
0xf: {  	[smem:$0x3FAD] =	sst s7  }
0x10: {  	[smem:$0x3FAE] =	sst s8  }
0x11: {  	[smem:$0x3FAF] =	sst s9;
	s0 =	simm.s32 @!p0 $0x0  }
0x12: {  	s1 =	sld [smem:$0x3F95];
	s0 =	simm.s32 @p0 $0x1  }
0x13: {  	[smem:$0x3FB0] =	sst s0;
	s0 =	simm.s32 @!p1 $0x0  }
0x14: {  	s2 =	sld [smem:$0x3F94];
	s0 =	simm.s32 @p1 $0x1  }
0x15: {  	[smem:$0x3FB1] =	sst s0;
	s0 =	simm.s32 @!p2 $0x0  }
0x16: {  	s3 =	sld [smem:$0x3FDB];
	s0 =	simm.s32 @p2 $0x1  }
0x17: {  	s4 =	simm.s32 $0x1BF5;
	[smem:$0x3FB3] =	sst s0  }
0x18: {  	s0 =	sld [smem:$0x3F96];
	_ =	swait.ge [sflag:s4], $0x0  }
0x19: {  	s7 =	sld [smem:$0x3F97]  }
0x1a: {  	s8 =	sadd.s32 $0xFFFFE003, lr  }
0x1b: {  	s9 =	sadd.s32 $0xFFFFFEF7, lr;
	s5 =	simm.s32 $0xFFFFFFFF;
	p2 =	slt.u32 s8, $0xFFFFF086  }
0x1c: {  	p1 =	slt.u32 s9, $0xF7A;
	s5 =	simm.s32 @!p2 $0x0  }
0x1d: {  	s5 =	simm.s32 @p1 $0x1;
	p0 =	seq.s32 s7, s2  }
0x1e: {  	s7 =	smul.u32 @!p0 $0xF7A, s2;
	p2 =	seq.s32 @!p0 s5, $0x0  }
0x1f: {  	s9 =	smul.u32 $0xF7A, s1;
	s8 =	simm.s32 @!p0 $0x1BF5;
	p2 =	por !p2, p0  }
0x20: {  	[sflag:s8] =	ssyncset.s32 @!p0 $0xFFFFF086;
	s6 =	sadd.s32 @!p0 s3, s7;
	s7 =	simm.s32 @!p0 $0x108  }
0x21: {  	s3 =	sadd.s32 s3, s9;
	s6 =	sadd.s32 @!p0 $0x88, s6;
	s7 =	simm.s32 @p2 $0x1082  }
0x22: {  	[simem:s7], [sflag:s8] =	dma.local @!p0 [hbm:s6], $0xF7A  }
0x23: {  	s9 =	sor.u32 $0xD0000000, s2;
	s6 =	simm.s32 $0x108;
	_ =	swait.ge @!p0 [sflag:s8], $0x0  }
0x24: {  	s3 =	sadd.s32 $0x88, s3;
	s6 =	simm.s32 @!p1 $0x1082;
	[sflag:s4] =	ssyncset.s32 $0xFFFFF086  }
0x25: {  	[simem:s6], [sflag:s4] =	dma.local [hbm:s3], $0xF7A  }
0x26: {  	[smem:$0x3F97] =	sst s1;
	(tag) =	ssettag s2;
	_ =	strace s9  }
0x27: {  	s1 =	sld [smem:$0x3FA7]  }
0x28: {  	s2 =	sld [smem:$0x3FA8]  }
0x29: {  	s4 =	sld [smem:$0x3FAA]  }
0x2a: {  	p0 =	seq.s32 s5, $0x0;
	s5 =	sld [smem:$0x3FAB]  }
0x2b: {  	s6 =	sld [smem:$0x3FAC]  }
0x2c: {  	s7 =	sld [smem:$0x3FAD]  }
0x2d: {  	s3 =	simm.s32 $0x108;
	s8 =	sld [smem:$0x3FAE]  }
0x2e: {  	s3 =	simm.s32 @!p0 $0x1082;
	s9 =	sld [smem:$0x3FAF]  }
0x2f: {  	lr =	sadd.s32 s0, s3;
	s0 =	sld [smem:$0x3FA6]  }
0x30: {  	s3 =	sld [smem:$0x3FA9]  }
0x31: {  	[smem:$0x3FB2] =	sst s10  }
0x32: {  	s10 =	sld [smem:$0x3FB0];
	_ =	sdelay $0x3  }
0x33: {  	p0 =	seq.s32 s10, $0x1;
	s10 =	sld [smem:$0x3FB2];
	_ =	sdelay $0x3  }
0x34: {  	[smem:$0x3FB2] =	sst s10  }
0x35: {  	s10 =	sld [smem:$0x3FB1];
	_ =	sdelay $0x3  }
0x36: {  	p1 =	seq.s32 s10, $0x1;
	s10 =	sld [smem:$0x3FB2];
	_ =	sdelay $0x3  }
0x37: {  	[smem:$0x3FB2] =	sst s10  }
0x38: {  	s10 =	sld [smem:$0x3FB3]  }
0x39: {  	_ = 	snop;
	(pc) =	sbr.ind lr, $3  }
0x3a: {  	_ = 	snop  }
0x3b: {  	_ = 	snop  }
0x3c: {  	p2 =	seq.s32 s10, $0x1;
	s10 =	sld [smem:$0x3FB2]  }
0x3d: {  	_ =	shalt  }
0x3e: {  	_ =	shalt  }
0x3f: {  	_ =	shalt  }
0x40: {  	_ =	shalt  }
0x41: {  	_ =	shalt  }
0x42: {  	_ =	shalt  }
0x43: {  	_ =	shalt  }
0x44: {  	_ =	shalt  }
0x45: {  	_ =	shalt  }
0x46: {  	_ =	shalt  }
0x47: {  	_ =	shalt  }
0x48: {  	_ =	shalt  }
0x49: {  	_ =	shalt  }
0x4a: {  	_ =	shalt  }
0x4b: {  	_ =	shalt  }
0x4c: {  	_ =	shalt  }
0x4d: {  	_ =	shalt  }
0x4e: {  	_ =	shalt  }
0x4f: {  	_ =	shalt  }
0x50: {  	_ =	shalt  }
0x51: {  	_ =	shalt  }
0x52: {  	_ =	shalt  }
0x53: {  	_ =	shalt  }
0x54: {  	_ =	shalt  }
0x55: {  	_ =	shalt  }
0x56: {  	_ =	shalt  }
0x57: {  	_ =	shalt  }
0x58: {  	_ =	shalt  }
0x59: {  	_ =	shalt  }
0x5a: {  	_ =	shalt  }
0x5b: {  	_ =	shalt  }
0x5c: {  	_ =	shalt  }
0x5d: {  	_ =	shalt  }
0x5e: {  	_ =	shalt  }
0x5f: {  	_ =	shalt  }
0x60: {  	_ =	shalt  }
0x61: {  	_ =	shalt  }
0x62: {  	_ =	shalt  }
0x63: {  	_ =	shalt  }
0x64: {  	_ =	shalt  }
0x65: {  	_ =	shalt  }
0x66: {  	_ =	shalt  }
0x67: {  	_ =	shalt  }
0x68: {  	_ =	shalt  }
0x69: {  	_ =	shalt  }
0x6a: {  	_ =	shalt  }
0x6b: {  	_ =	shalt  }
0x6c: {  	_ =	shalt  }
0x6d: {  	_ =	shalt  }
0x6e: {  	_ =	shalt  }
0x6f: {  	_ =	shalt  }
0x70: {  	_ =	shalt  }
0x71: {  	_ =	shalt  }
0x72: {  	_ =	shalt  }
0x73: {  	_ =	shalt  }
0x74: {  	_ =	shalt  }
0x75: {  	_ =	shalt  }
0x76: {  	_ =	shalt  }
0x77: {  	_ =	shalt  }
0x78: {  	_ =	shalt  }
0x79: {  	_ =	shalt  }
0x7a: {  	_ =	shalt  }
0x7b: {  	_ =	shalt  }
0x7c: {  	_ =	shalt  }
0x7d: {  	_ =	shalt  }
0x7e: {  	_ =	shalt  }
0x7f: {  	_ =	shalt  }
0x80: {  	_ =	shalt  }
0x81: {  	_ =	shalt  }
0x82: {  	_ =	shalt  }
0x83: {  	_ =	shalt  }
0x84: {  	_ =	shalt  }
0x85: {  	_ =	shalt  }
0x86: {  	_ =	shalt  }
0x87: {  	_ =	shalt  }
.Lfunc_end0:
.L_simem_size_0:
called_computation_lowered:
.L_overlay_start_0:
0x88: {  	s2 =	sld [smem:$0x3FD9]  }
0x89: {  	s3 =	sld [smem:$0x3FFE];
	_ =	sdelay $0x1  }
0x8a: {  	s1 =	srdreg.scid  }
0x8b: {  	s0 =	sand.u32 $0x1, s1  }
0x8c: {  	s17 =	sshll.u32 s0, $0xA;
	s2 =	sadd.s32 s3, s2  }
0x8d: {  	s2 =	sadd.s32 s2, s17  }
0x8e: {  	[smem:$0x3FBE] =	sst s2  }
0x8f: {  	_ = 	snop  }
0x90: {  	(tm) =	ssettm $0x1  }
0x91: {  	s18 =	sld [smem:$0x3FFB];
	_ =	sdelay $0x3  }
0x92: {  	_ =	strace s18  }
0x93: {  	s2 =	sld [smem:$0x3FFC];
	_ =	sdelay $0x3  }
0x94: {  	_ =	strace s2  }
0x95: {  	s2 =	sld [smem:$0x3FFD];
	_ =	sdelay $0x3  }
0x96: {  	_ =	strace s2  }
0x97: {  	_ =	strace $0x8FFFFFFF  }
0x98: {  	s19 =	sld [smem:$0x3FDB];
	_ =	sdelay $0x1  }
0x99: {  	s20 =	simm.s32 $_scs_section_size  }
0x9a: {  	s4 =	simm.s32 $_size__tile_overlayer_lowered;
	s5 =	simm.s32 $_tile_overlayer_lowered  }
0x9b: {  	s6 =	simm.s32 $0x1BFF;
	s21 =	sshll.u32 s5, $0x1;
	s3 =	sadd.s32 s20, s19  }
0x9c: {  	s22 =	simm.s32 $0x0;
	s4 =	sshll.u32 s4, $0x1;
	s5 =	sadd.s32 s21, s3  }
0x9d: {  	[timem:s22], [sflag:s6] =	dma.local [hbm:s5], s4  }
0x9e: {  	_ =	swait.ge [sflag:s6], s4  }
0x9f: {  	s4 =	ssub.s32 $0x0, s4;
	[sflag:s6] =	ssyncset.done $0x0  }
0xa0: {  	[sflag:s6] =	ssyncadd.s32 s4;
	_ =	sdelay $0x1  }
0xa1: {  	s23 =	simm.s32 $0x1B8B  }
0xa2: {  	_ =	swait.ge [sflag:s23], $0x1  }
0xa3: {  	[sflag:s23] =	ssyncset.done $0x0  }
0xa4: {  	[sflag:s23] =	ssyncadd.s32 $0xFFFFFFFF  }
0xa5: {  	s4 =	sld [smem:$0x0]  }
0xa6: {  	s5 =	sand.u32 $0xFFFFFFFE, s1  }
0xa7: {  	p0 =	sne.s32 s1, s5  }
0xa8: {  	s5 =	sshll.u32 @p0 s5, $0xE  }
0xa9: {  	s5 =	sadd.s32 @p0 $0x11B8D, s5;
	s6 =	sshll.u32 @p0 s4, $0x11  }
0xaa: {  	s5 =	sor.u32 @p0 s6, s5  }
0xab: {  	[sflag:s5] =	ssyncadd.remote.s32 @p0 $0x1;
	_ =	sdelay $0x1  }
0xac: {  	s5 =	simm.s32 @p0 $0x1B8D  }
0xad: {  	_ =	swait.eq @p0 [sflag:s5], $0x1  }
0xae: {  	[sflag:s5] =	ssyncadd.s32 @p0 $0xFFFFFFFF  }
0xaf: {  	s6 =	sshll.u32 @!p0 s1, $0xE  }
0xb0: {  	s6 =	sor.u32 @!p0 $0x4000, s6;
	s5 =	simm.s32 @!p0 $0x1B8D  }
0xb1: {  	s4 =	sshll.u32 @!p0 s4, $0x11;
	s6 =	sadd.s32 @!p0 $0x11B8D, s6;
	_ =	swait.eq @!p0 [sflag:s5], $0x1  }
0xb2: {  	s4 =	sor.u32 @!p0 s4, s6;
	[sflag:s5] =	ssyncadd.s32 @!p0 $0xFFFFFFFF  }
0xb3: {  	s25 =	simm.s32 $0x1B8E;
	s24 =	sld [smem:$0x3FFE];
	[sflag:s4] =	ssyncadd.remote.s32 @!p0 $0x1  }
0xb4: {  	s26 =	simm.s32 $execute0_lowered;
	[smem:$0x3FD2] =	sst s25  }
0xb5: {  	s5 =	sshll.u32 s26, $0x1;
	_ =	strace $0x80000049;
	[dreg:$0x1] =	wrdreg $0xFFFFFFFF  }
0xb6: {  	s28 =	simm.s32 $_size_execute0_lowered;
	s3 =	sadd.s32 s3, s5;
	[dreg:$0x0] =	wrdreg $0x0  }
0xb7: {  	s5 =	sshll.u32 s28, $0x1;
	[dreg:$0x2] =	wrdreg s3  }
0xb8: {  	[dreg:$0x3] =	wrdreg s5  }
0xb9: {  	[dreg:$0x4] =	wrdreg $0xC0  }
0xba: {  	_ =	task [dreg:s22], $0x5FFFF  }
0xbb: {  	[dreg:$0x1] =	wrdreg $0xFFFFFFFF  }
0xbc: {  	[dreg:$0x0] =	wrdreg $0x60  }
0xbd: {  	[dreg:$0x2] =	wrdreg s24  }
0xbe: {  	[dreg:$0x3] =	wrdreg $0xB7800  }
0xbf: {  	[dreg:$0x4] =	wrdreg $0x9  }
0xc0: {  	_ =	task.clear_ibuf [dreg:s22], $0x5FFFF;
	_ =	strace $0x90000049  }
0xc1: {  	s29 =	simm.s32 $0x9;
	_ =	strace $0x8000004B  }
0xc2: {  	_ =	swait.ge [sflag:s29], $0x1  }
0xc3: {  	[sflag:s29] =	ssyncadd.s32 $0xFFFFFFFF  }
0xc4: {  	_ =	strace $0x9000004B  }
0xc5: {  	_ =	sfence  }
0xc6: {  	s30 =	sld [smem:$0x0];
	_ =	sdelay $0x2  }
0xc7: {  	s31 =	sshll.u32 s1, $0xD;
	s1 =	sshrl.u32 s1, $0x2  }
0xc8: {  	s4 =	sand.u32 $0x4000, s31;
	s1 =	sadd.s32 s1, s30  }
0xc9: {  	s0 =	sor.u32 s4, s0;
	s1 =	sshll.u32 s1, $0x11  }
0xca: {  	s0 =	sor.u32 s1, s0  }
0xcb: {  	s0 =	sadd.s32 $0x8F2B, s0  }
0xcc: {  	[sflag:s0] =	ssyncadd.remote.s32 $0x1  }
0xcd: {  	_ =	sfence.sel $0xFFFF  }
0xce: {  	[dreg:$0x0] =	wrdreg $0xFFFFFFFF;
	(pc) =	sbr.abs _section_cstart, $3  }
0xcf: {  	[dreg:$0x1] =	wrdreg $0xFFFFFFFF  }
0xd0: {  	_ =	task.clear_ibuf [dreg:s22], $0x2FFFF;
	_ =	strace $0x9FFFFFFF  }
0xd1: {  	(tm) =	ssettm $0x7FFFFFFF  }
tec
execute0_lowered:
.L_overlay_start_1:
0x0: {  	(tag) =	ssettag $0x1  }
0x1: {  	s5 =	rddreg [dreg:$0x0]  }
0x2: {  	s0 =	stileid.u32;
	s2 =	rddreg [dreg:$0x1]  }
0x3: {  	s6 =	srdreg.scid;
	s16 =	simm.s32 $0x50;
	s17 =	simm.s32 $0x6780  }
0x4: {  	s18 =	simm.s32 $0x8F80;
	s19 =	simm.s32 $0x1;
	s20 =	simm.s32 $0x2  }
0x5: {  	s21 =	simm.s32 $0x3;
	s22 =	simm.s32 $0x4;
	s23 =	simm.s32 $0x6480  }
0x6: {  	s24 =	simm.s32 $0x6500;
	s25 =	simm.s32 $0x26C0;
	s28 =	simm.s32 $0x0  }
0x7: {  	s1 =	sshrl.u32 s0, $0x3;
	s3 =	sshll.u32 s0, $0x7;
	s8 =	smul.u32 $0x280, s0  }
0x8: {  	s10 =	sand.u32 $0x1, s6;
	s9 =	sshll.u32 s0, $0xB;
	s12 =	smul.u32 $0x50000, s0  }
0x9: {  	s31 =	sshll.u32 s0, $0x6;
	s4 =	smul.u32 $0x13C00, s1;
	s7 =	sand.u32 $0x380, s3  }
0xa: {  	s3 =	simm.s32 $0x0;
	s6 =	smul.u32 $0x2800, s10;
	s26 =	ssub.s32 $0x2, s10  }
0xb: {  	s9 =	sadd.s32 s9, s5;
	p0 =	seq.s32 s10, $0x0;
	s10 =	simm.s32 $0x80  }
0xc: {  	[smem:$0x7FF] =	sst s3;
	s29 =	sshrl.u32 s26, $0x1;
	s30 =	sshrl.u32 s12, $0x2  }
0xd: {  	s12 =	simm.s32 $0x5;
	s4 =	sor.u32 s7, s4;
	_ =	strace $0x8000004A  }
0xe: {  	s6 =	sadd.s32 s8, s6;
	s14 =	ssub.s32 s26, s29;
	s15 =	sadd.s32 s30, s2  }
0xf: {  	s26 =	simm.s32 $0x6580;
	s7 =	sshrl.u32 s4, $0x3;
	s4 =	sadd.s32 $0x3B200, s5  }
0x10: {  	s11 =	sshll.u32 s6, $0x4;
	s6 =	sadd.s32 $0x1A00, s9;
	s9 =	smax.u32 s14, $0x1  }
0x11: {  	s14 =	sor.u32 $0x1C05, s31;
	s15 =	sshrl.u32 s15, $0x3;
	s7 =	sadd.s32 s7, s5  }
0x12: {  	s13 =	sadd.s32 s11, s5;
	s5 =	sadd.s32 $0x36200, s7;
	s7 =	sadd.s32 s4, s11  }
0x13: {  	s8 =	sadd.s32 $0x8B200, s13;
	s11 =	simm.s32 $0x400;
	s13 =	simm.s32 $0x2780  }
.LBB2_1:
0x14: {  	[tilespmem:s3], [sflag:$0x5] =	stream.strided.gather [hbm4b:s5+s10], $0x2780, s11, s10, $0x38;
	[tilespmem:$0x1F780] =	vst v63  }
0x15: {  	_ =	swait.ge [sflag:s12], $0x2780  }
0x16: {  	[sflag:s12] =	ssyncset.done $0x0  }
0x17: {  	[sflag:s12] =	ssyncadd.s32 $0xFFFFD880  }
0x18: {  	[tilespmem:s13], [sflag:$0x5] =	stream.linear.gather [hbm4b:s6+s3], $0x3E80, $0x38;
	[tilespmem:$0x1F780] =	vst v63  }
0x19: {  	_ =	swait.ge [sflag:s12], $0x3E80  }
0x1a: {  	[sflag:s12] =	ssyncset.done $0x0  }
.Ltmp0:
0x1b: {  	[sflag:s12] =	ssyncadd.s32 $0xFFFFC180;
	(pc) =	sbr.rel @p0 .LBB2_5-.Ltmp0, $4  }
0x1c: {  	[spmem:s15], [sflag:s14] =	dma.local [hbm:s7], $0x2800  }
0x1d: {  	_ =	swait.ge [sflag:s12], $0x2800  }
0x1e: {  	[sflag:s12] =	ssyncset.done $0x0  }
0x1f: {  	[sflag:s12] =	ssyncadd.s32 $0xFFFFD800  }
0x20: {  	s29 =	sshra.s32 s3, $0x2;
	s30 =	sadd.s32 $0x40, s3  }
.LBB2_3:
0x21: {  	p1 =	sne.s32 s30, $0x9C00;
	v0 =	vld [tilespmem:s29+$0x0];
	_ =	sdelay $0x1  }
.Ltmp1:
0x22: {  	(pc) =	sbr.rel @p1 .LBB2_3-.Ltmp1, $3  }
0x23: {  	_ =	sdelay $0x1  }
0x24: {  	v0 =	vadd.s32 $0x2800, v0  }
0x25: {  	[tilespmem:s29+$0x0] =	vst v0;
	s29 =	sshra.s32 s30, $0x2;
	s30 =	sadd.s32 $0x40, s30  }
0x26: {  	v0 =	vld [tilespmem:s29+$0x0];
	_ =	sdelay $0x4  }
0x27: {  	v0 =	vadd.s32 $0x2800, v0  }
0x28: {  	[tilespmem:s29+$0x0] =	vst v0  }
.LBB2_5:
0x29: {  	[bflag:$0x0] =	sbarrier.arrive $0xFFFF;
	s29 =	simm.s32 $0x0  }
0x2a: {  	[tilespmem:s17], [sflag:$0x1] =	stream.indirect.gather [hbm4b:s4+s16], $0x80, s29, s16, $0xb8;
	[tilespmem:$0x1F780] =	vst v63  }
0x2b: {  	_ = 	snop  }
0x2c: {  	[tilespmem:s18], [sflag:$0x2] =	stream.indirect.gather [hbm4b:s4+s16], $0x80, s16, s16, $0xb8;
	[tilespmem:$0x1F780] =	vst v63  }
0x2d: {  	_ =	swait.ge [sflag:s19], $0x2800  }
0x2e: {  	[sflag:s19] =	ssyncset.done $0x0  }
0x2f: {  	s29 =	simm.s32 $0x2780;
	[sflag:s19] =	ssyncadd.s32 $0xFFFFD800  }
0x30: {  	[spmem:s2] =	stream.indirect.scatter.add.f32 [tilespmem:s17], [sflag:$0x3], $0x80, s29, s16, $0xb8;
	[tilespmem:$0x1F780] =	vst v63  }
0x31: {  	_ =	swait.ge [sflag:s20], $0x2800  }
0x32: {  	[sflag:s20] =	ssyncset.done $0x0  }
0x33: {  	s29 =	simm.s32 $0x2800;
	[sflag:s20] =	ssyncadd.s32 $0xFFFFD800  }
0x34: {  	[spmem:s2] =	stream.indirect.scatter.add.f32 [tilespmem:s18], [sflag:$0x4], $0x80, s29, s16, $0xb8;
	[tilespmem:$0x1F780] =	vst v63  }
0x35: {  	_ =	swait.ge [sflag:s21], $0x2800  }
0x36: {  	[sflag:s21] =	ssyncset.done $0x0  }
0x37: {  	s29 =	simm.s32 $0xA0;
	[sflag:s21] =	ssyncadd.s32 $0xFFFFD800  }
0x38: {  	[tilespmem:s17], [sflag:$0x1] =	stream.indirect.gather [hbm4b:s4+s16], $0x80, s29, s16, $0xb8;
	[tilespmem:$0x1F780] =	vst v63  }
0x39: {  	_ =	swait.ge [sflag:s22], $0x2800  }
0x3a: {  	s30 =	simm.s32 $0x400;
	[sflag:s22] =	ssyncset.done $0x0  }
0x3b: {  	s31 =	simm.s32 $0x190;
	s29 =	simm.s32 $0xF0;
	[sflag:s22] =	ssyncadd.s32 $0xFFFFD800  }
.LBB2_6:
0x3c: {  	[tilespmem:s18], [sflag:$0x2] =	stream.indirect.gather [hbm4b:s4+s16], $0x80, s29, s16, $0xb8;
	[tilespmem:$0x1F780] =	vst v63  }
0x3d: {  	s1 =	smov.u32 s30;
	s29 =	smov.u32 s31  }
0x3e: {  	p1 =	sne.s32 s30, $0xF000;
	s30 =	sadd.s32 $0x400, s30;
	_ =	swait.ge [sflag:s19], $0x2800  }
0x3f: {  	s1 =	sshra.s32 s1, $0x2;
	[sflag:s19] =	ssyncset.done $0x0  }
0x40: {  	s0 =	sadd.s32 $0x2780, s1;
	[sflag:s19] =	ssyncadd.s32 $0xFFFFD800  }
0x41: {  	[spmem:s2] =	stream.indirect.scatter.add.f32 [tilespmem:s17], [sflag:$0x3], $0x80, s0, s16, $0xb8;
	[tilespmem:$0x1F780] =	vst v63  }
0x42: {  	_ =	swait.ge [sflag:s20], $0x2800  }
0x43: {  	[sflag:s20] =	ssyncset.done $0x0  }
0x44: {  	s0 =	sadd.s32 $0x2800, s1;
	[sflag:s20] =	ssyncadd.s32 $0xFFFFD800  }
0x45: {  	[spmem:s2] =	stream.indirect.scatter.add.f32 [tilespmem:s18], [sflag:$0x4], $0x80, s0, s16, $0xb8;
	[tilespmem:$0x1F780] =	vst v63  }
0x46: {  	_ =	swait.ge [sflag:s21], $0x2800  }
0x47: {  	[sflag:s21] =	ssyncset.done $0x0  }
.Ltmp2:
0x48: {  	s0 =	sadd.s32 $0xFFFFFFB0, s31;
	[sflag:s21] =	ssyncadd.s32 $0xFFFFD800;
	(pc) =	sbr.rel @p1 .LBB2_6-.Ltmp2, $4  }
0x49: {  	[tilespmem:s17], [sflag:$0x1] =	stream.indirect.gather [hbm4b:s4+s16], $0x80, s0, s16, $0xb8;
	[tilespmem:$0x1F780] =	vst v63  }
0x4a: {  	_ =	swait.ge [sflag:s22], $0x2800  }
0x4b: {  	[sflag:s22] =	ssyncset.done $0x0  }
0x4c: {  	s31 =	sadd.s32 $0xA0, s31;
	[sflag:s22] =	ssyncadd.s32 $0xFFFFD800  }
0x4d: {  	[tilespmem:s18], [sflag:$0x2] =	stream.indirect.gather [hbm4b:s4+s16], $0x80, s29, s16, $0xb8;
	[tilespmem:$0x1F780] =	vst v63  }
0x4e: {  	_ =	swait.ge [sflag:s19], $0x2800  }
0x4f: {  	[sflag:s19] =	ssyncset.done $0x0  }
0x50: {  	[sflag:s19] =	ssyncadd.s32 $0xFFFFD800  }
0x51: {  	[spmem:s2] =	stream.indirect.scatter.add.f32 [tilespmem:s17], [sflag:$0x3], $0x80, s23, s16, $0xb8;
	[tilespmem:$0x1F780] =	vst v63  }
0x52: {  	_ =	swait.ge [sflag:s20], $0x2800  }
0x53: {  	[sflag:s20] =	ssyncset.done $0x0  }
0x54: {  	[sflag:s20] =	ssyncadd.s32 $0xFFFFD800  }
0x55: {  	[spmem:s2] =	stream.indirect.scatter.add.f32 [tilespmem:s18], [sflag:$0x4], $0x80, s24, s16, $0xb8;
	[tilespmem:$0x1F780] =	vst v63  }
0x56: {  	_ =	swait.ge [sflag:s21], $0x2800  }
0x57: {  	[sflag:s21] =	ssyncset.done $0x0  }
0x58: {  	[sflag:s21] =	ssyncadd.s32 $0xFFFFD800  }
0x59: {  	[tilespmem:s17], [sflag:$0x1] =	stream.indirect.gather [hbm4b:s4+s16], $0x80, s25, s16, $0xb8;
	[tilespmem:$0x1F780] =	vst v63  }
0x5a: {  	_ =	swait.ge [sflag:s22], $0x2800  }
0x5b: {  	[sflag:s22] =	ssyncset.done $0x0  }
0x5c: {  	[sflag:s22] =	ssyncadd.s32 $0xFFFFD800  }
0x5d: {  	_ =	swait.ge [sflag:s19], $0x2800  }
0x5e: {  	[sflag:s19] =	ssyncset.done $0x0  }
0x5f: {  	[sflag:s19] =	ssyncadd.s32 $0xFFFFD800  }
0x60: {  	[spmem:s2] =	stream.indirect.scatter.add.f32 [tilespmem:s17], [sflag:$0x3], $0x80, s26, s16, $0xb8;
	[tilespmem:$0x1F780] =	vst v63  }
0x61: {  	_ =	swait.ge [sflag:s21], $0x2800  }
0x62: {  	s28 =	sadd.s32 $0x1, s28;
	[sflag:s21] =	ssyncset.done $0x0  }
0x63: {  	p1 =	sne.s32 s28, s9;
	[sflag:s21] =	ssyncadd.s32 $0xFFFFD800  }
.Ltmp3:
0x64: {  	[bflag:$0x0] =	sbarrier.arrive $0xFFFF;
	(pc) =	sbr.rel @p1 .LBB2_1-.Ltmp3, $4  }
0x65: {  	[hbm:s8], [sflag:s14] =	dma.local [spmem:s15], $0x2800  }
0x66: {  	_ =	swait.ge [sflag:s12], $0x2800  }
0x67: {  	[sflag:s12] =	ssyncset.done $0x0  }
0x68: {  	[sflag:s12] =	ssyncadd.s32 $0xFFFFD800  }
0x69: {  	_ =	sfence.sel $0x180000  }
0x6a: {  	[bflag:$0x0] =	sbarrier.arrive $0xFFFF  }
0x6b: {  	_ =	strace $0x9000004A  }
0x6c: {  	s0 =	stileid.u32;
	[bflag:$0x2] =	sbarrier.arrive $0xFFFF  }
0x6d: {  	p0 =	sne.s32 s0, $0x0;
	s0 =	rddreg [dreg:$0x2]  }
0x6e: {  	s0 =	sadd.s32 @!p0 $0x100000, s0  }
0x6f: {  	[sflag:s0] =	ssyncadd.tile.s32 @!p0 $0x1;
	_ =	shalt  }
.Lfunc_end2:
_tile_overlayer_lowered:
.L_overlay_start_2:
0x70: {  	(tag) =	ssettag $0x2  }
0x71: {  	s0 =	rddreg [dreg:$0x0];
	s2 =	stileid.u32  }
0x72: {  	s1 =	rddreg [dreg:$0x1];
	p0 =	sne.s32 s2, $0x0  }
0x73: {  	s3 =	rddreg [dreg:$0x2];
	[bflag:$0x3] =	sbarrier.arrive $0xFFFF;
	s2 =	simm.s32 @!p0 $0x1C05  }
0x74: {  	[timem:s3], [sflag:s2] =	dma.local @!p0 [hbm:s0], s1  }
0x75: {  	s0 =	simm.s32 @!p0 $0x5  }
0x76: {  	_ =	swait.ge @!p0 [sflag:s0], s1  }
0x77: {  	s1 =	ssub.s32 @!p0 $0x0, s1;
	[sflag:s0] =	ssyncset.done @!p0 $0x0  }
0x78: {  	[sflag:s0] =	ssyncadd.s32 @!p0 s1  }
0x79: {  	[bflag:$0x3] =	sbarrier.arrive $0xFFFF  }
0x7a: {  	_ =	shalt  }

// kernel: kernel.8.cloned.1.call-start
scs
__scs_entry_jumppad:
0x0: {  	(pc) =	sbr.rel $0x88, $3  }
0x1: {  	(tag) =	ssettag $0x0;
	lr =	simm.s32 $0x1  }
0x2: {  	[smem:$0x3F97] =	sst lr;
	_ =	strace $0xD0000000  }
0x3: {  	_ = 	snop  }
0x4: {  	_ = 	snop  }
0x5: {  	_ = 	snop  }
0x6: {  	_ = 	snop  }
0x7: {  	_ = 	snop  }
__scs_overlays_trampoline_lowered:
0x8: {  	[smem:$0x3FA6] =	sst s0  }
0x9: {  	[smem:$0x3FA7] =	sst s1  }
0xa: {  	[smem:$0x3FA8] =	sst s2  }
0xb: {  	[smem:$0x3FA9] =	sst s3  }
0xc: {  	[smem:$0x3FAA] =	sst s4  }
0xd: {  	[smem:$0x3FAB] =	sst s5  }
0xe: {  	[smem:$0x3FAC] =	sst s6  }
0xf: {  	[smem:$0x3FAD] =	sst s7  }
0x10: {  	[smem:$0x3FAE] =	sst s8  }
0x11: {  	[smem:$0x3FAF] =	sst s9;
	s0 =	simm.s32 @!p0 $0x0  }
0x12: {  	s1 =	sld [smem:$0x3F95];
	s0 =	simm.s32 @p0 $0x1  }
0x13: {  	[smem:$0x3FB0] =	sst s0;
	s0 =	simm.s32 @!p1 $0x0  }
0x14: {  	s2 =	sld [smem:$0x3F94];
	s0 =	simm.s32 @p1 $0x1  }
0x15: {  	[smem:$0x3FB1] =	sst s0;
	s0 =	simm.s32 @!p2 $0x0  }
0x16: {  	s3 =	sld [smem:$0x3FDB];
	s0 =	simm.s32 @p2 $0x1  }
0x17: {  	s4 =	simm.s32 $0x1BF5;
	[smem:$0x3FB3] =	sst s0  }
0x18: {  	s0 =	sld [smem:$0x3F96];
	_ =	swait.ge [sflag:s4], $0x0  }
0x19: {  	s7 =	sld [smem:$0x3F97]  }
0x1a: {  	s8 =	sadd.s32 $0xFFFFE003, lr  }
0x1b: {  	s9 =	sadd.s32 $0xFFFFFEF7, lr;
	s5 =	simm.s32 $0xFFFFFFFF;
	p2 =	slt.u32 s8, $0xFFFFF086  }
0x1c: {  	p1 =	slt.u32 s9, $0xF7A;
	s5 =	simm.s32 @!p2 $0x0  }
0x1d: {  	s5 =	simm.s32 @p1 $0x1;
	p0 =	seq.s32 s7, s2  }
0x1e: {  	s7 =	smul.u32 @!p0 $0xF7A, s2;
	p2 =	seq.s32 @!p0 s5, $0x0  }
0x1f: {  	s9 =	smul.u32 $0xF7A, s1;
	s8 =	simm.s32 @!p0 $0x1BF5;
	p2 =	por !p2, p0  }
0x20: {  	[sflag:s8] =	ssyncset.s32 @!p0 $0xFFFFF086;
	s6 =	sadd.s32 @!p0 s3, s7;
	s7 =	simm.s32 @!p0 $0x108  }
0x21: {  	s3 =	sadd.s32 s3, s9;
	s6 =	sadd.s32 @!p0 $0x88, s6;
	s7 =	simm.s32 @p2 $0x1082  }
0x22: {  	[simem:s7], [sflag:s8] =	dma.local @!p0 [hbm:s6], $0xF7A  }
0x23: {  	s9 =	sor.u32 $0xD0000000, s2;
	s6 =	simm.s32 $0x108;
	_ =	swait.ge @!p0 [sflag:s8], $0x0  }
0x24: {  	s3 =	sadd.s32 $0x88, s3;
	s6 =	simm.s32 @!p1 $0x1082;
	[sflag:s4] =	ssyncset.s32 $0xFFFFF086  }
0x25: {  	[simem:s6], [sflag:s4] =	dma.local [hbm:s3], $0xF7A  }
0x26: {  	[smem:$0x3F97] =	sst s1;
	(tag) =	ssettag s2;
	_ =	strace s9  }
0x27: {  	s1 =	sld [smem:$0x3FA7]  }
0x28: {  	s2 =	sld [smem:$0x3FA8]  }
0x29: {  	s4 =	sld [smem:$0x3FAA]  }
0x2a: {  	p0 =	seq.s32 s5, $0x0;
	s5 =	sld [smem:$0x3FAB]  }
0x2b: {  	s6 =	sld [smem:$0x3FAC]  }
0x2c: {  	s7 =	sld [smem:$0x3FAD]  }
0x2d: {  	s3 =	simm.s32 $0x108;
	s8 =	sld [smem:$0x3FAE]  }
0x2e: {  	s3 =	simm.s32 @!p0 $0x1082;
	s9 =	sld [smem:$0x3FAF]  }
0x2f: {  	lr =	sadd.s32 s0, s3;
	s0 =	sld [smem:$0x3FA6]  }
0x30: {  	s3 =	sld [smem:$0x3FA9]  }
0x31: {  	[smem:$0x3FB2] =	sst s10  }
0x32: {  	s10 =	sld [smem:$0x3FB0];
	_ =	sdelay $0x3  }
0x33: {  	p0 =	seq.s32 s10, $0x1;
	s10 =	sld [smem:$0x3FB2];
	_ =	sdelay $0x3  }
0x34: {  	[smem:$0x3FB2] =	sst s10  }
0x35: {  	s10 =	sld [smem:$0x3FB1];
	_ =	sdelay $0x3  }
0x36: {  	p1 =	seq.s32 s10, $0x1;
	s10 =	sld [smem:$0x3FB2];
	_ =	sdelay $0x3  }
0x37: {  	[smem:$0x3FB2] =	sst s10  }
0x38: {  	s10 =	sld [smem:$0x3FB3]  }
0x39: {  	_ = 	snop;
	(pc) =	sbr.ind lr, $3  }
0x3a: {  	_ = 	snop  }
0x3b: {  	_ = 	snop  }
0x3c: {  	p2 =	seq.s32 s10, $0x1;
	s10 =	sld [smem:$0x3FB2]  }
0x3d: {  	_ =	shalt  }
0x3e: {  	_ =	shalt  }
0x3f: {  	_ =	shalt  }
0x40: {  	_ =	shalt  }
0x41: {  	_ =	shalt  }
0x42: {  	_ =	shalt  }
0x43: {  	_ =	shalt  }
0x44: {  	_ =	shalt  }
0x45: {  	_ =	shalt  }
0x46: {  	_ =	shalt  }
0x47: {  	_ =	shalt  }
0x48: {  	_ =	shalt  }
0x49: {  	_ =	shalt  }
0x4a: {  	_ =	shalt  }
0x4b: {  	_ =	shalt  }
0x4c: {  	_ =	shalt  }
0x4d: {  	_ =	shalt  }
0x4e: {  	_ =	shalt  }
0x4f: {  	_ =	shalt  }
0x50: {  	_ =	shalt  }
0x51: {  	_ =	shalt  }
0x52: {  	_ =	shalt  }
0x53: {  	_ =	shalt  }
0x54: {  	_ =	shalt  }
0x55: {  	_ =	shalt  }
0x56: {  	_ =	shalt  }
0x57: {  	_ =	shalt  }
0x58: {  	_ =	shalt  }
0x59: {  	_ =	shalt  }
0x5a: {  	_ =	shalt  }
0x5b: {  	_ =	shalt  }
0x5c: {  	_ =	shalt  }
0x5d: {  	_ =	shalt  }
0x5e: {  	_ =	shalt  }
0x5f: {  	_ =	shalt  }
0x60: {  	_ =	shalt  }
0x61: {  	_ =	shalt  }
0x62: {  	_ =	shalt  }
0x63: {  	_ =	shalt  }
0x64: {  	_ =	shalt  }
0x65: {  	_ =	shalt  }
0x66: {  	_ =	shalt  }
0x67: {  	_ =	shalt  }
0x68: {  	_ =	shalt  }
0x69: {  	_ =	shalt  }
0x6a: {  	_ =	shalt  }
0x6b: {  	_ =	shalt  }
0x6c: {  	_ =	shalt  }
0x6d: {  	_ =	shalt  }
0x6e: {  	_ =	shalt  }
0x6f: {  	_ =	shalt  }
0x70: {  	_ =	shalt  }
0x71: {  	_ =	shalt  }
0x72: {  	_ =	shalt  }
0x73: {  	_ =	shalt  }
0x74: {  	_ =	shalt  }
0x75: {  	_ =	shalt  }
0x76: {  	_ =	shalt  }
0x77: {  	_ =	shalt  }
0x78: {  	_ =	shalt  }
0x79: {  	_ =	shalt  }
0x7a: {  	_ =	shalt  }
0x7b: {  	_ =	shalt  }
0x7c: {  	_ =	shalt  }
0x7d: {  	_ =	shalt  }
0x7e: {  	_ =	shalt  }
0x7f: {  	_ =	shalt  }
0x80: {  	_ =	shalt  }
0x81: {  	_ =	shalt  }
0x82: {  	_ =	shalt  }
0x83: {  	_ =	shalt  }
0x84: {  	_ =	shalt  }
0x85: {  	_ =	shalt  }
0x86: {  	_ =	shalt  }
0x87: {  	_ =	shalt  }
.Lfunc_end0:
.L_simem_size_0:
called_computation.1_lowered:
.L_overlay_start_0:
0x88: {  	s2 =	sld [smem:$0x3FD9]  }
0x89: {  	s3 =	sld [smem:$0x3FFE];
	_ =	sdelay $0x1  }
0x8a: {  	s1 =	srdreg.scid  }
0x8b: {  	s0 =	sand.u32 $0x1, s1  }
0x8c: {  	s17 =	sshll.u32 s0, $0xA;
	s2 =	sadd.s32 s3, s2  }
0x8d: {  	s2 =	sadd.s32 s2, s17  }
0x8e: {  	[smem:$0x3FBE] =	sst s2  }
0x8f: {  	_ = 	snop  }
0x90: {  	s2 =	sld [smem:$0x3FC6];
	(tm) =	ssettm $0x1  }
0x91: {  	s18 =	sld [smem:$0x3FFB];
	_ =	sdelay $0x3  }
0x92: {  	_ =	strace s18  }
0x93: {  	s3 =	sld [smem:$0x3FFC];
	_ =	sdelay $0x3  }
0x94: {  	_ =	strace s3  }
0x95: {  	s3 =	sld [smem:$0x3FFD];
	_ =	sdelay $0x3  }
0x96: {  	_ =	strace s3  }
0x97: {  	_ =	strace $0x8FFFFFFF  }
0x98: {  	s19 =	sld [smem:$0x3FDB];
	_ =	sdelay $0x1  }
0x99: {  	s4 =	simm.s32 $_scs_section_size  }
0x9a: {  	s5 =	simm.s32 $_size__tile_overlayer_lowered;
	s6 =	simm.s32 $_tile_overlayer_lowered  }
0x9b: {  	s22 =	simm.s32 $0x1BFF;
	s21 =	sshll.u32 s6, $0x1;
	s3 =	sadd.s32 s4, s19  }
0x9c: {  	s7 =	simm.s32 $0x0;
	s20 =	sshll.u32 s5, $0x1;
	s5 =	sadd.s32 s21, s3  }
0x9d: {  	[timem:s7], [sflag:s22] =	dma.local [hbm:s5], s20  }
0x9e: {  	_ =	swait.ge [sflag:s22], s20  }
0x9f: {  	s4 =	ssub.s32 $0x0, s20;
	[sflag:s22] =	ssyncset.done $0x0  }
0xa0: {  	[sflag:s22] =	ssyncadd.s32 s4;
	_ =	sdelay $0x1  }
0xa1: {  	s23 =	simm.s32 $0x1B8B  }
0xa2: {  	_ =	swait.ge [sflag:s23], $0x1  }
0xa3: {  	[sflag:s23] =	ssyncset.done $0x0  }
0xa4: {  	s25 =	simm.s32 $0x1B8E;
	s24 =	sld [smem:$0x3FFE];
	[sflag:s23] =	ssyncadd.s32 $0xFFFFFFFF  }
0xa5: {  	s26 =	simm.s32 $execute0_lowered;
	[smem:$0x3FD2] =	sst s25  }
0xa6: {  	s5 =	sshll.u32 s26, $0x1;
	_ =	strace $0x80000046;
	[dreg:$0x1] =	wrdreg $0xFFFFFFFF  }
0xa7: {  	s28 =	simm.s32 $_size_execute0_lowered;
	s3 =	sadd.s32 s3, s5;
	[dreg:$0x0] =	wrdreg $0x0  }
0xa8: {  	s5 =	sshll.u32 s28, $0x1;
	[dreg:$0x2] =	wrdreg s3  }
0xa9: {  	[dreg:$0x3] =	wrdreg s5  }
0xaa: {  	[dreg:$0x4] =	wrdreg $0xC0  }
0xab: {  	_ =	task [dreg:s7], $0x5FFFF  }
0xac: {  	[dreg:$0x1] =	wrdreg $0xFFFFFFFF  }
0xad: {  	[dreg:$0x0] =	wrdreg $0x60  }
0xae: {  	[dreg:$0x2] =	wrdreg s24  }
0xaf: {  	[dreg:$0x3] =	wrdreg s2  }
0xb0: {  	[dreg:$0x4] =	wrdreg $0x128800  }
0xb1: {  	[dreg:$0x5] =	wrdreg $0x1C8800  }
0xb2: {  	[dreg:$0x6] =	wrdreg $0x1CB000  }
0xb3: {  	[dreg:$0x7] =	wrdreg $0x1CD800  }
0xb4: {  	[dreg:$0x8] =	wrdreg $0xA  }
0xb5: {  	_ =	task.clear_ibuf [dreg:s7], $0x9FFFF;
	_ =	strace $0x90000046  }
0xb6: {  	s29 =	simm.s32 $0xA;
	_ =	strace $0x80000048  }
0xb7: {  	_ =	swait.ge [sflag:s29], $0x1  }
0xb8: {  	[sflag:s29] =	ssyncadd.s32 $0xFFFFFFFF  }
0xb9: {  	_ =	strace $0x90000048  }
0xba: {  	_ =	sfence  }
0xbb: {  	s30 =	sld [smem:$0x0];
	_ =	sdelay $0x2  }
0xbc: {  	s31 =	sshll.u32 s1, $0xD;
	s1 =	sshrl.u32 s1, $0x2  }
0xbd: {  	s3 =	sand.u32 $0x4000, s31;
	s1 =	sadd.s32 s1, s30  }
0xbe: {  	s0 =	sor.u32 s3, s0;
	s1 =	sshll.u32 s1, $0x11  }
0xbf: {  	s0 =	sor.u32 s1, s0  }
0xc0: {  	s0 =	sadd.s32 $0x8F2B, s0  }
0xc1: {  	[sflag:s0] =	ssyncadd.remote.s32 $0x1  }
0xc2: {  	_ =	sfence.sel $0xFFFF  }
0xc3: {  	[dreg:$0x0] =	wrdreg $0xFFFFFFFF;
	(pc) =	sbr.abs _section_cstart, $3  }
0xc4: {  	[dreg:$0x1] =	wrdreg $0xFFFFFFFF  }
0xc5: {  	_ =	task.clear_ibuf [dreg:s7], $0x2FFFF;
	_ =	strace $0x9FFFFFFF  }
0xc6: {  	(tm) =	ssettm $0x7FFFFFFF  }
0xc7: {  	_ =	shalt  }
tec
execute0_lowered:
.L_overlay_start_1:
0x0: {  	(tag) =	ssettag $0x1  }
0x1: {  	s0 =	rddreg [dreg:$0x0]  }
0x2: {  	s2 =	rddreg [dreg:$0x2]  }
0x3: {  	s3 =	rddreg [dreg:$0x3]  }
0x4: {  	s5 =	rddreg [dreg:$0x4]  }
0x5: {  	s6 =	rddreg [dreg:$0x5];
	s4 =	stileid.u32  }
0x6: {  	s7 =	simm.s32 $0x0;
	s9 =	srdreg.scid;
	s1 =	smul.u32 $0x4E2, s4  }
0x7: {  	[smem:$0x7FF] =	sst s7;
	s10 =	smul.u32 $0xA000, s4  }
0x8: {  	s8 =	sshll.u32 s4, $0xB;
	s11 =	smul.u32 $0x280, s4;
	s18 =	sand.u32 $0x1, s9  }
0x9: {  	s26 =	smul.u32 $0x28000, s4;
	_ =	strace $0x80000047;
	s12 =	sadd.s32 s8, s0  }
0xa: {  	s13 =	ssub.s32 $0x2, s18;
	s1 =	sadd.s32 s1, s0;
	s21 =	sshrl.u32 s10, $0x3  }
0xb: {  	s22 =	sshrl.u32 s11, $0x3;
	s23 =	sshrl.u32 s13, $0x1;
	s8 =	sadd.s32 $0x9A00, s12  }
0xc: {  	s15 =	sadd.s32 s11, s5;
	s16 =	sadd.s32 s11, s6;
	s24 =	sadd.s32 $0x1BA00, s1  }
0xd: {  	s19 =	sadd.s32 s21, s0;
	s25 =	sadd.s32 $0x16A00, s1;
	[dreg:$0x7] =	wrdreg s24  }
0xe: {  	s0 =	sadd.s32 s22, s0;
	s1 =	sadd.s32 $0x11A00, s1;
	[dreg:$0x8] =	wrdreg s25  }
0xf: {  	s29 =	sshrl.u32 s26, $0x2;
	[dreg:$0x9] =	wrdreg s1;
	s30 =	sadd.s32 $0x35000, s0  }
0x10: {  	s20 =	ssub.s32 s13, s23;
	s31 =	sadd.s32 $0x35600, s0;
	[dreg:$0xa] =	wrdreg s30  }
0x11: {  	s14 =	sadd.s32 $0x20A00, s0;
	s0 =	sadd.s32 $0x35C00, s0;
	[dreg:$0xb] =	wrdreg s31  }
0x12: {  	s17 =	sadd.s32 s29, s2;
	s1 =	sadd.s32 $0x21000, s19;
	[dreg:$0xc] =	wrdreg s0  }
0x13: {  	s13 =	sadd.s32 s11, s3;
	s11 =	sadd.s32 $0xA00, s17;
	[dreg:$0xd] =	wrdreg s1  }
0x14: {  	s9 =	sadd.s32 $0x1A00, s12;
	s12 =	sadd.s32 $0x1400, s17;
	[dreg:$0xe] =	wrdreg s11  }
0x15: {  	p0 =	sne.s32 s18, $0x0;
	s18 =	sadd.s32 $0x1E00, s17;
	[dreg:$0xf] =	wrdreg s12  }
0x16: {  	s19 =	sadd.s32 $0x2800, s17;
	[dreg:$0x11] =	wrdreg s18  }
0x17: {  	s22 =	smax.u32 s20, $0x1;
	s20 =	sadd.s32 $0x3200, s17;
	[dreg:$0x12] =	wrdreg s19  }
0x18: {  	s21 =	sadd.s32 $0x3C00, s17;
	[dreg:$0x13] =	wrdreg s20  }
0x19: {  	s23 =	sadd.s32 $0x4600, s17;
	[dreg:$0x14] =	wrdreg s21  }
0x1a: {  	s28 =	simm.s32 $0x0;
	s24 =	sadd.s32 $0x5000, s17;
	[dreg:$0x15] =	wrdreg s23  }
0x1b: {  	s10 =	sadd.s32 s10, s2;
	s25 =	sadd.s32 $0x5A00, s17;
	[dreg:$0x16] =	wrdreg s24  }
0x1c: {  	s26 =	sadd.s32 $0x6400, s17;
	s29 =	sadd.s32 $0x6E00, s17;
	[dreg:$0x17] =	wrdreg s25  }
.Ltmp0:
0x1d: {  	s0 =	sshrl.u32 s10, $0x3;
	[dreg:$0x18] =	wrdreg s26;
	(pc) =	sbr.rel .LBB2_1-.Ltmp0, $4  }
0x1e: {  	[dreg:$0x19] =	wrdreg s29;
	s30 =	sadd.s32 $0x7800, s17;
	s31 =	sadd.s32 $0x8200, s17  }
0x1f: {  	s19 =	sadd.s32 $0x8C00, s17;
	s20 =	sadd.s32 $0x9600, s17;
	[dreg:$0x10] =	wrdreg s0  }
0x20: {  	s21 =	simm.s32 $0x2;
	s24 =	simm.s32 $0x8000;
	[dreg:$0x1a] =	wrdreg s30  }
0x21: {  	v0 =	vimm.f32 $0.0e+00;
	v1 =	vimm.f32 $1.000000000e+00;
	s25 =	simm.s32 $0x11E80;
	s26 =	simm.s32 $0x1;
	[dreg:$0x1b] =	wrdreg s31  }
.LBB2_12:
0x22: {  	[bflag:$0x0] =	sbarrier.arrive $0xFFFF  }
0x23: {  	s0 =	sshll.u32 s4, $0x6;
	s1 =	rddreg [dreg:$0xd]  }
0x24: {  	s0 =	sor.u32 $0x1C02, s0;
	s10 =	rddreg [dreg:$0x10]  }
0x25: {  	[hbm:s1], [sflag:s0] =	dma.local [spmem:s10], $0x1400  }
0x26: {  	_ =	swait.ge [sflag:s21], $0x1400  }
0x27: {  	[sflag:s21] =	ssyncset.done $0x0  }
0x28: {  	[sflag:s21] =	ssyncadd.s32 $0xFFFFEC00  }
.LBB2_15:
0x29: {  	s28 =	sadd.s32 $0x1, s28  }
0x2a: {  	p1 =	sne.s32 s28, s22  }
.Ltmp1:
0x2b: {  	_ = 	snop;
	(pc) =	sbr.rel @!p1 .LBB2_16-.Ltmp1, $1  }
0x2c: {  	_ =	sdelay $0x3  }
.LBB2_1:
0x2d: {  	[tilespmem:s7], [sflag:$0x2] =	stream.linear.gather [hbm4b:s8+s7], $0x3E80, $0x38;
	[tilespmem:$0x1D000] =	vst v63  }
0x2e: {  	_ =	swait.ge [sflag:s21], $0x3E80  }
0x2f: {  	[sflag:s21] =	ssyncset.done $0x0  }
.Ltmp2:
0x30: {  	s0 =	simm.s32 $0x4000;
	[sflag:s21] =	ssyncadd.s32 $0xFFFFC180;
	(pc) =	sbr.rel @p0 .LBB2_17-.Ltmp2, $4  }
0x31: {  	[tilespmem:s0], [sflag:$0x2] =	stream.linear.gather [hbm4b:s9+s7], $0x3E80, $0x38;
	[tilespmem:$0x1D000] =	vst v63  }
0x32: {  	_ =	swait.ge [sflag:s21], $0x3E80  }
0x33: {  	[sflag:s21] =	ssyncset.done $0x0  }
0x34: {  	[sflag:s21] =	ssyncadd.s32 $0xFFFFC180  }
0x35: {  	s0 =	simm.s32 $0x0;
	s1 =	rddreg [dreg:$0x1]  }
0x36: {  	[tilespmem:s24], [sflag:$0x2] =	stream.linear.gather [hbm4b:s1+s0], $0x2780, $0x38;
	[tilespmem:$0x1D000] =	vst v63  }
0x37: {  	_ =	swait.ge [sflag:s21], $0x2780  }
0x38: {  	[sflag:s21] =	ssyncset.done $0x0  }
0x39: {  	s0 =	simm.s32 $0x40;
	s1 =	simm.s32 $0x0;
	[sflag:s21] =	ssyncadd.s32 $0xFFFFD880  }
.LBB2_3:
0x3a: {  	p1 =	sne.s32 s0, $0x27C0;
	[tilespmem:s1+$0x11E80] =	vst v0;
	s1 =	smov.u32 s0;
	s0 =	sadd.s32 $0x40, s0  }
.Ltmp3:
0x3b: {  	(pc) =	sbr.rel @p1 .LBB2_3-.Ltmp3, $2  }
0x3c: {  	_ =	sdelay $0x2  }
0x3d: {  	s1 =	sshra.s32 s1, $0x2  }
0x3e: {  	[tilespmem:s1+$0x11E80] =	vst v0  }
0x3f: {  	[spmem:s17] =	stream.linear.scatter [tilespmem:s25], [sflag:$0x2], $0xA00, $0x38;
	[tilespmem:$0x1D000] =	vst v63  }
0x40: {  	_ =	swait.ge [sflag:s21], $0xA00  }
0x41: {  	[sflag:s21] =	ssyncset.done $0x0  }
0x42: {  	s0 =	rddreg [dreg:$0xe];
	[sflag:s21] =	ssyncadd.s32 $0xFFFFF600  }
0x43: {  	[spmem:s0] =	stream.linear.scatter [tilespmem:s25], [sflag:$0x2], $0xA00, $0x38;
	[tilespmem:$0x1D000] =	vst v63  }
0x44: {  	_ =	swait.ge [sflag:s21], $0xA00  }
0x45: {  	[sflag:s21] =	ssyncset.done $0x0  }
0x46: {  	s11 =	rddreg [dreg:$0xf];
	[sflag:s21] =	ssyncadd.s32 $0xFFFFF600  }
0x47: {  	[spmem:s11] =	stream.linear.scatter [tilespmem:s25], [sflag:$0x2], $0xA00, $0x38;
	[tilespmem:$0x1D000] =	vst v63  }
0x48: {  	_ =	swait.ge [sflag:s21], $0xA00  }
0x49: {  	[sflag:s21] =	ssyncset.done $0x0  }
0x4a: {  	s12 =	rddreg [dreg:$0x11];
	[sflag:s21] =	ssyncadd.s32 $0xFFFFF600  }
0x4b: {  	[spmem:s12] =	stream.linear.scatter [tilespmem:s25], [sflag:$0x2], $0xA00, $0x38;
	[tilespmem:$0x1D000] =	vst v63  }
0x4c: {  	_ =	swait.ge [sflag:s21], $0xA00  }
0x4d: {  	[sflag:s21] =	ssyncset.done $0x0  }
0x4e: {  	s18 =	rddreg [dreg:$0x12];
	[sflag:s21] =	ssyncadd.s32 $0xFFFFF600  }
0x4f: {  	[spmem:s18] =	stream.linear.scatter [tilespmem:s25], [sflag:$0x2], $0xA00, $0x38;
	[tilespmem:$0x1D000] =	vst v63  }
0x50: {  	_ =	swait.ge [sflag:s21], $0xA00  }
0x51: {  	[sflag:s21] =	ssyncset.done $0x0  }
0x52: {  	s23 =	rddreg [dreg:$0x13];
	[sflag:s21] =	ssyncadd.s32 $0xFFFFF600  }
0x53: {  	[spmem:s23] =	stream.linear.scatter [tilespmem:s25], [sflag:$0x2], $0xA00, $0x38;
	[tilespmem:$0x1D000] =	vst v63  }
0x54: {  	_ =	swait.ge [sflag:s21], $0xA00  }
0x55: {  	[sflag:s21] =	ssyncset.done $0x0  }
0x56: {  	s31 =	rddreg [dreg:$0x14];
	[sflag:s21] =	ssyncadd.s32 $0xFFFFF600  }
0x57: {  	[spmem:s31] =	stream.linear.scatter [tilespmem:s25], [sflag:$0x2], $0xA00, $0x38;
	[tilespmem:$0x1D000] =	vst v63  }
0x58: {  	_ =	swait.ge [sflag:s21], $0xA00  }
0x59: {  	[sflag:s21] =	ssyncset.done $0x0  }
0x5a: {  	s1 =	rddreg [dreg:$0x15];
	[sflag:s21] =	ssyncadd.s32 $0xFFFFF600  }
0x5b: {  	[spmem:s1] =	stream.linear.scatter [tilespmem:s25], [sflag:$0x2], $0xA00, $0x38;
	[tilespmem:$0x1D000] =	vst v63  }
0x5c: {  	_ =	swait.ge [sflag:s21], $0xA00  }
0x5d: {  	[sflag:s21] =	ssyncset.done $0x0  }
0x5e: {  	s10 =	rddreg [dreg:$0x16];
	[sflag:s21] =	ssyncadd.s32 $0xFFFFF600  }
0x5f: {  	[spmem:s10] =	stream.linear.scatter [tilespmem:s25], [sflag:$0x2], $0xA00, $0x38;
	[tilespmem:$0x1D000] =	vst v63  }
0x60: {  	_ =	swait.ge [sflag:s21], $0xA00  }
0x61: {  	[sflag:s21] =	ssyncset.done $0x0  }
0x62: {  	s11 =	rddreg [dreg:$0x17];
	[sflag:s21] =	ssyncadd.s32 $0xFFFFF600  }
0x63: {  	[spmem:s11] =	stream.linear.scatter [tilespmem:s25], [sflag:$0x2], $0xA00, $0x38;
	[tilespmem:$0x1D000] =	vst v63  }
0x64: {  	_ =	swait.ge [sflag:s21], $0xA00  }
0x65: {  	[sflag:s21] =	ssyncset.done $0x0  }
0x66: {  	s12 =	rddreg [dreg:$0x18];
	[sflag:s21] =	ssyncadd.s32 $0xFFFFF600  }
0x67: {  	[spmem:s12] =	stream.linear.scatter [tilespmem:s25], [sflag:$0x2], $0xA00, $0x38;
	[tilespmem:$0x1D000] =	vst v63  }
0x68: {  	_ =	swait.ge [sflag:s21], $0xA00  }
0x69: {  	[sflag:s21] =	ssyncset.done $0x0  }
0x6a: {  	s18 =	rddreg [dreg:$0x19];
	[sflag:s21] =	ssyncadd.s32 $0xFFFFF600  }
0x6b: {  	[spmem:s18] =	stream.linear.scatter [tilespmem:s25], [sflag:$0x2], $0xA00, $0x38;
	[tilespmem:$0x1D000] =	vst v63  }
0x6c: {  	_ =	swait.ge [sflag:s21], $0xA00  }
0x6d: {  	[sflag:s21] =	ssyncset.done $0x0  }
0x6e: {  	s23 =	rddreg [dreg:$0x1a];
	[sflag:s21] =	ssyncadd.s32 $0xFFFFF600  }
0x6f: {  	[spmem:s23] =	stream.linear.scatter [tilespmem:s25], [sflag:$0x2], $0xA00, $0x38;
	[tilespmem:$0x1D000] =	vst v63  }
0x70: {  	_ =	swait.ge [sflag:s21], $0xA00  }
0x71: {  	[sflag:s21] =	ssyncset.done $0x0  }
0x72: {  	s31 =	rddreg [dreg:$0x1b];
	[sflag:s21] =	ssyncadd.s32 $0xFFFFF600  }
0x73: {  	[spmem:s31] =	stream.linear.scatter [tilespmem:s25], [sflag:$0x2], $0xA00, $0x38;
	[tilespmem:$0x1D000] =	vst v63  }
0x74: {  	_ =	swait.ge [sflag:s21], $0xA00  }
0x75: {  	[sflag:s21] =	ssyncset.done $0x0  }
0x76: {  	[sflag:s21] =	ssyncadd.s32 $0xFFFFF600  }
0x77: {  	[spmem:s19] =	stream.linear.scatter [tilespmem:s25], [sflag:$0x2], $0xA00, $0x38;
	[tilespmem:$0x1D000] =	vst v63  }
0x78: {  	_ =	swait.ge [sflag:s21], $0xA00  }
0x79: {  	[sflag:s21] =	ssyncset.done $0x0  }
0x7a: {  	[sflag:s21] =	ssyncadd.s32 $0xFFFFF600  }
0x7b: {  	[spmem:s20] =	stream.linear.scatter [tilespmem:s25], [sflag:$0x2], $0xA00, $0x38;
	[tilespmem:$0x1D000] =	vst v63  }
0x7c: {  	_ =	swait.ge [sflag:s21], $0xA00  }
0x7d: {  	[sflag:s21] =	ssyncset.done $0x0  }
0x7e: {  	[sflag:s21] =	ssyncadd.s32 $0xFFFFF600  }
0x7f: {  	[tilespmem:$0x11E00] =	vst v1  }
0x80: {  	[tilespmem:$0x11E10] =	vst v1  }
0x81: {  	[tilespmem:$0x11E20] =	vst v1  }
0x82: {  	[tilespmem:$0x11E30] =	vst v1  }
0x83: {  	s23 =	simm.s32 $0x0;
	[tilespmem:$0x11E40] =	vst v1  }
0x84: {  	v2 =	vld [tilespmem:s23+$0x4000];
	_ =	sdelay $0x5  }
0x85: {  	v3 =	vld [tilespmem:s23+$0x4010]  }
0x86: {  	v4 =	vld [tilespmem:s23+$0x0]  }
0x87: {  	v2 =	vld.idx.msk [tilespmem:v2+s24+$0x0], $0xffff;
	_ =	sdelay $0x3  }
0x88: {  	v4 =	vshll.u32 v4, $0x6  }
0x89: {  	v2 =	vadd.s32 v2, v4;
	v4 =	vld [tilespmem:s23+$0x4020]  }
0x8a: {  	[tilespmem:s23+$0x0] =	vst v2;
	v2 =	vld [tilespmem:s23+$0x10]  }
0x8b: {  	v3 =	vld.idx.msk [tilespmem:v3+s24+$0x0], $0xffff;
	_ =	sdelay $0x3  }
0x8c: {  	v2 =	vshll.u32 v2, $0x6  }
0x8d: {  	v5 =	vld [tilespmem:s23+$0x4030];
	v2 =	vadd.s32 v3, v2  }
0x8e: {  	[tilespmem:s23+$0x10] =	vst v2;
	v2 =	vld [tilespmem:s23+$0x20]  }
0x8f: {  	v3 =	vld.idx.msk [tilespmem:v4+s24+$0x0], $0xffff;
	_ =	sdelay $0x3  }
0x90: {  	v2 =	vshll.u32 v2, $0x6  }
0x91: {  	v2 =	vadd.s32 v3, v2;
	v3 =	vld [tilespmem:s23+$0x4040]  }
0x92: {  	[tilespmem:s23+$0x20] =	vst v2;
	v2 =	vld [tilespmem:s23+$0x30]  }
0x93: {  	v4 =	vld.idx.msk [tilespmem:v5+s24+$0x0], $0xffff;
	_ =	sdelay $0x3  }
0x94: {  	s30 =	simm.s32 $0x80;
	v5 =	vshll.u32 v2, $0x6  }
0x95: {  	v2 =	vld [tilespmem:s30+$0x4000];
	v4 =	vadd.s32 v4, v5  }
0x96: {  	s29 =	simm.s32 $0x400;
	[tilespmem:s23+$0x30] =	vst v4;
	v4 =	vld [tilespmem:s23+$0x40]  }
.LBB2_5:
0x97: {  	p1 =	sne.s32 s29, $0xF800;
	v3 =	vld.idx.msk [tilespmem:v3+s24+$0x0], $0xffff;
	_ =	sdelay $0x4  }
0x98: {  	v4 =	vshll.u32 v4, $0x6  }
0x99: {  	v3 =	vadd.s32 v3, v4;
	v5 =	vld [tilespmem:s30+$0x4010]  }
0x9a: {  	v4 =	vld [tilespmem:s30+$0x0];
	[tilespmem:s23+$0x40] =	vst v3;
	s23 =	smov.u32 s30  }
0x9b: {  	v2 =	vld.idx.msk [tilespmem:v2+s24+$0x0], $0xffff;
	_ =	sdelay $0x4  }
0x9c: {  	v3 =	vshll.u32 v4, $0x6  }
0x9d: {  	v2 =	vadd.s32 v2, v3;
	v3 =	vld [tilespmem:s23+$0x4020]  }
0x9e: {  	[tilespmem:s23+$0x0] =	vst v2;
	v2 =	vld [tilespmem:s23+$0x10]  }
0x9f: {  	v4 =	vld.idx.msk [tilespmem:v5+s24+$0x0], $0xffff;
	_ =	sdelay $0x4  }
0xa0: {  	v2 =	vshll.u32 v2, $0x6  }
0xa1: {  	v2 =	vadd.s32 v4, v2;
	v4 =	vld [tilespmem:s23+$0x4030]  }
0xa2: {  	[tilespmem:s23+$0x10] =	vst v2;
	v2 =	vld [tilespmem:s23+$0x20]  }
0xa3: {  	v3 =	vld.idx.msk [tilespmem:v3+s24+$0x0], $0xffff;
	_ =	sdelay $0x4  }
0xa4: {  	v2 =	vshll.u32 v2, $0x6  }
0xa5: {  	v2 =	vadd.s32 v3, v2;
	v3 =	vld [tilespmem:s23+$0x4040]  }
0xa6: {  	[tilespmem:s23+$0x20] =	vst v2;
	v2 =	vld [tilespmem:s23+$0x30]  }
0xa7: {  	v4 =	vld.idx.msk [tilespmem:v4+s24+$0x0], $0xffff;
	_ =	sdelay $0x2  }
.Ltmp4:
0xa8: {  	(pc) =	sbr.rel @p1 .LBB2_5-.Ltmp4, $4  }
0xa9: {  	_ = 	snop  }
0xaa: {  	s30 =	sshra.s32 s29, $0x2;
	v5 =	vshll.u32 v2, $0x6  }
0xab: {  	v4 =	vadd.s32 v4, v5;
	v2 =	vld [tilespmem:s30+$0x4000]  }
0xac: {  	s29 =	sadd.s32 $0x200, s29;
	[tilespmem:s23+$0x30] =	vst v4;
	v4 =	vld [tilespmem:s23+$0x40]  }
0xad: {  	_ =	sdelay $0x3  }
0xae: {  	v3 =	vld.idx.msk [tilespmem:v3+s24+$0x0], $0xffff;
	_ =	sdelay $0x3  }
0xaf: {  	v4 =	vshll.u32 v4, $0x6  }
0xb0: {  	v5 =	vld [tilespmem:s30+$0x4010];
	v3 =	vadd.s32 v3, v4  }
0xb1: {  	v61 =	vld [tilespmem:s30+$0x0];
	[tilespmem:s23+$0x40] =	vst v3  }
0xb2: {  	v2 =	vld.idx.msk [tilespmem:v2+s24+$0x0], $0xffff;
	_ =	sdelay $0x3  }
0xb3: {  	v3 =	vshll.u32 v61, $0x6  }
0xb4: {  	v2 =	vadd.s32 v2, v3;
	v3 =	vld [tilespmem:s30+$0x4020]  }
0xb5: {  	[tilespmem:s30+$0x0] =	vst v2;
	v2 =	vld [tilespmem:s30+$0x10]  }
0xb6: {  	v62 =	vld.idx.msk [tilespmem:v5+s24+$0x0], $0xffff;
	_ =	sdelay $0x3  }
0xb7: {  	v2 =	vshll.u32 v2, $0x6  }
0xb8: {  	v63 =	vld [tilespmem:s30+$0x4030];
	v2 =	vadd.s32 v62, v2  }
0xb9: {  	[tilespmem:s30+$0x10] =	vst v2;
	v2 =	vld [tilespmem:s30+$0x20]  }
0xba: {  	v3 =	vld.idx.msk [tilespmem:v3+s24+$0x0], $0xffff;
	_ =	sdelay $0x3  }
0xbb: {  	v2 =	vshll.u32 v2, $0x6  }
0xbc: {  	v2 =	vadd.s32 v3, v2;
	v3 =	vld [tilespmem:s30+$0x4040]  }
0xbd: {  	[tilespmem:s30+$0x20] =	vst v2;
	v2 =	vld [tilespmem:s30+$0x30]  }
0xbe: {  	v4 =	vld.idx.msk [tilespmem:v63+s24+$0x0], $0xffff;
	_ =	sdelay $0x3  }
0xbf: {  	v2 =	vshll.u32 v2, $0x6  }
0xc0: {  	v2 =	vadd.s32 v4, v2  }
0xc1: {  	[tilespmem:s30+$0x30] =	vst v2;
	v2 =	vld [tilespmem:s30+$0x40]  }
0xc2: {  	v3 =	vld.idx.msk [tilespmem:v3+s24+$0x0], $0xffff;
	_ =	sdelay $0x1  }
.Ltmp5:
0xc3: {  	_ = 	snop;
	(pc) =	sbr.rel .LBB2_7-.Ltmp5, $4  }
0xc4: {  	_ = 	snop  }
0xc5: {  	v2 =	vshll.u32 v2, $0x6  }
0xc6: {  	v2 =	vadd.s32 v3, v2  }
0xc7: {  	[tilespmem:s30+$0x40] =	vst v2  }
.LBB2_17:
0xc8: {  	s0 =	rddreg [dreg:$0x7];
	s1 =	simm.s32 $0xA780  }
0xc9: {  	[tilespmem:s1], [sflag:$0x2] =	stream.linear.gather [hbm4b:s0+s7], $0x2710, $0x38;
	[tilespmem:$0x1D000] =	vst v63  }
0xca: {  	_ =	swait.ge [sflag:s21], $0x2710  }
0xcb: {  	[sflag:s21] =	ssyncset.done $0x0  }
0xcc: {  	s11 =	simm.s32 $0xCF00;
	s10 =	rddreg [dreg:$0x8];
	[sflag:s21] =	ssyncadd.s32 $0xFFFFD8F0  }
0xcd: {  	[tilespmem:s11], [sflag:$0x2] =	stream.linear.gather [hbm4b:s10+s7], $0x2710, $0x38;
	[tilespmem:$0x1D000] =	vst v63  }
0xce: {  	_ =	swait.ge [sflag:s21], $0x2710  }
0xcf: {  	[sflag:s21] =	ssyncset.done $0x0  }
0xd0: {  	s18 =	simm.s32 $0xF680;
	s12 =	rddreg [dreg:$0x9];
	[sflag:s21] =	ssyncadd.s32 $0xFFFFD8F0  }
0xd1: {  	[tilespmem:s18], [sflag:$0x2] =	stream.linear.gather [hbm4b:s12+s7], $0x2710, $0x38;
	[tilespmem:$0x1D000] =	vst v63  }
0xd2: {  	_ =	swait.ge [sflag:s21], $0x2710  }
0xd3: {  	s23 =	sshll.u32 s4, $0x6;
	[sflag:s21] =	ssyncset.done $0x0  }
0xd4: {  	s29 =	sshrl.u32 s13, $0x3;
	s0 =	sor.u32 $0x1C02, s23;
	[sflag:s21] =	ssyncadd.s32 $0xFFFFD8F0  }
0xd5: {  	[spmem:s29], [sflag:s0] =	dma.local [hbm:s14], $0x50  }
0xd6: {  	_ =	swait.ge [sflag:s21], $0x50  }
0xd7: {  	[sflag:s21] =	ssyncset.done $0x0  }
0xd8: {  	s30 =	sshrl.u32 s15, $0x3;
	[sflag:s21] =	ssyncadd.s32 $0xFFFFFFB0  }
0xd9: {  	[spmem:s30], [sflag:s0] =	dma.local [hbm:s14], $0x50  }
0xda: {  	_ =	swait.ge [sflag:s21], $0x50  }
0xdb: {  	[sflag:s21] =	ssyncset.done $0x0  }
0xdc: {  	s31 =	sshrl.u32 s16, $0x3;
	[sflag:s21] =	ssyncadd.s32 $0xFFFFFFB0  }
0xdd: {  	[spmem:s31], [sflag:s0] =	dma.local [hbm:s14], $0x50  }
0xde: {  	_ =	swait.ge [sflag:s21], $0x50  }
0xdf: {  	[sflag:s21] =	ssyncset.done $0x0  }
0xe0: {  	[sflag:s21] =	ssyncadd.s32 $0xFFFFFFB0  }
.LBB2_7:
0xe1: {  	[bflag:$0x0] =	sbarrier.arrive $0xFFFF  }
0xe2: {  	s30 =	simm.s32 $0x4000;
	s0 =	simm.s32 @p0 $0xA780;
	s31 =	simm.s32 @p0 $0x50  }
0xe3: {  	[spmem:s3] =	stream.indirect.scatter.add.f32 @p0 [tilespmem:s0], [sflag:$0x1], $0x1, s30, s31, $0xb8;
	[tilespmem:$0x1D000] =	vst v63  }
0xe4: {  	s23 =	simm.s32 $0x0;
	s0 =	simm.s32 @p0 $0xCF00  }
0xe5: {  	[spmem:s5] =	stream.indirect.scatter.add.f32 @p0 [tilespmem:s0], [sflag:$0x1], $0x1, s30, s31, $0xb8;
	[tilespmem:$0x1D000] =	vst v63  }
0xe6: {  	s1 =	simm.s32 @!p0 $0x11E00;
	s10 =	simm.s32 $0x140;
	s0 =	simm.s32 @p0 $0xF680  }
0xe7: {  	[spmem:s6] =	stream.indirect.scatter.add.f32 @p0 [tilespmem:s0], [sflag:$0x1], $0x1, s30, s31, $0xb8;
	[tilespmem:$0x1D000] =	vst v63  }
0xe8: {  	s29 =	simm.s32 $0x7C;
	s11 =	simm.s32 $0x0;
	s0 =	simm.s32 @!p0 $0x50  }
0xe9: {  	[spmem:s2] =	stream.indirect.scatter.add.f32 @!p0 [tilespmem:s1], [sflag:$0x1], $0x1, s23, s0, $0xb8;
	[tilespmem:$0x1D000] =	vst v63  }
.LBB2_8:
0xea: {  	s12 =	sshra.s32 @p0 s10, $0x2;
	s10 =	sadd.s32 $0x140, s10;
	s30 =	sadd.s32 $0x80, s30  }
0xeb: {  	s18 =	sadd.s32 @p0 $0xA780, s12;
	p1 =	sne.s32 s10, $0x9C40  }
0xec: {  	[spmem:s3] =	stream.indirect.scatter.add.f32 @p0 [tilespmem:s18], [sflag:$0x1], $0x1, s30, s31, $0xb8;
	[tilespmem:$0x1D000] =	vst v63  }
0xed: {  	s18 =	sadd.s32 @p0 $0xCF00, s12  }
0xee: {  	[spmem:s5] =	stream.indirect.scatter.add.f32 @p0 [tilespmem:s18], [sflag:$0x1], $0x1, s30, s31, $0xb8;
	[tilespmem:$0x1D000] =	vst v63  }
.Ltmp6:
0xef: {  	_ = 	snop;
	(pc) =	sbr.rel @p1 .LBB2_8-.Ltmp6, $4  }
0xf0: {  	s12 =	sadd.s32 @p0 $0xF680, s12  }
0xf1: {  	[spmem:s6] =	stream.indirect.scatter.add.f32 @p0 [tilespmem:s12], [sflag:$0x1], $0x1, s30, s31, $0xb8;
	[tilespmem:$0x1D000] =	vst v63  }
0xf2: {  	s11 =	sadd.s32 $0x80, s11  }
0xf3: {  	[spmem:s2] =	stream.indirect.scatter.add.f32 @!p0 [tilespmem:s1], [sflag:$0x1], $0x1, s11, s0, $0xb8;
	[tilespmem:$0x1D000] =	vst v63  }
.Ltmp7:
0xf4: {  	_ = 	snop;
	(pc) =	sbr.rel .LBB2_9-.Ltmp7, $1  }
0xf5: {  	_ =	sdelay $0x3  }
.LBB2_10:
.Ltmp8:
0xf6: {  	(pc) =	sbr.rel @p1 .LBB2_12-.Ltmp8, $1  }
0xf7: {  	_ =	sdelay $0x3  }
.LBB2_11:
0xf8: {  	s29 =	sadd.s32 $0xFFFFFFFF, s29  }
.LBB2_9:
.Ltmp9:
0xf9: {  	(pc) =	sbr.rel @!p0 .LBB2_10-.Ltmp9, $4  }
0xfa: {  	_ = 	snop  }
0xfb: {  	_ =	swait.ge [sflag:s26], $0x50  }
0xfc: {  	[sflag:s26] =	ssyncset.done $0x0  }
0xfd: {  	s23 =	sadd.s32 $0x1, s23;
	p1 =	seq.s32 s29, $0x0;
	[sflag:s26] =	ssyncadd.s32 $0xFFFFFFB0  }
0xfe: {  	_ =	swait.ge [sflag:s26], $0x50  }
.Ltmp10:
0xff: {  	[sflag:s26] =	ssyncset.done $0x0;
	(pc) =	sbr.rel @!p1 .LBB2_11-.Ltmp10, $4  }
0x100: {  	[sflag:s26] =	ssyncadd.s32 $0xFFFFFFB0  }
0x101: {  	_ =	swait.ge [sflag:s26], $0x50  }
0x102: {  	[sflag:s26] =	ssyncset.done $0x0  }
0x103: {  	[sflag:s26] =	ssyncadd.s32 $0xFFFFFFB0  }
0x104: {  	s0 =	sshll.u32 s4, $0x6;
	[bflag:$0x0] =	sbarrier.arrive $0xFFFF  }
0x105: {  	s1 =	sshrl.u32 s13, $0x3;
	s0 =	sor.u32 $0x1C02, s0;
	s10 =	rddreg [dreg:$0xa]  }
0x106: {  	[hbm:s10], [sflag:s0] =	dma.local [spmem:s1], $0x50  }
0x107: {  	_ =	swait.ge [sflag:s21], $0x50  }
0x108: {  	[sflag:s21] =	ssyncset.done $0x0  }
0x109: {  	s23 =	sshrl.u32 s15, $0x3;
	s29 =	rddreg [dreg:$0xb];
	[sflag:s21] =	ssyncadd.s32 $0xFFFFFFB0  }
0x10a: {  	[hbm:s29], [sflag:s0] =	dma.local [spmem:s23], $0x50  }
0x10b: {  	_ =	swait.ge [sflag:s21], $0x50  }
0x10c: {  	s30 =	sshrl.u32 s16, $0x3;
	[sflag:s21] =	ssyncset.done $0x0  }
.Ltmp11:
0x10d: {  	s31 =	rddreg [dreg:$0xc];
	[sflag:s21] =	ssyncadd.s32 $0xFFFFFFB0;
	(pc) =	sbr.rel .LBB2_15-.Ltmp11, $4  }
0x10e: {  	[hbm:s31], [sflag:s0] =	dma.local [spmem:s30], $0x50  }
0x10f: {  	_ =	swait.ge [sflag:s21], $0x50  }
0x110: {  	[sflag:s21] =	ssyncset.done $0x0  }
0x111: {  	[sflag:s21] =	ssyncadd.s32 $0xFFFFFFB0  }
.LBB2_16:
0x112: {  	_ =	sfence.sel $0x180000  }
0x113: {  	[bflag:$0x0] =	sbarrier.arrive $0xFFFF  }
0x114: {  	_ =	strace $0x90000047  }
0x115: {  	[bflag:$0x2] =	sbarrier.arrive $0xFFFF  }
0x116: {  	p0 =	sne.s32 s4, $0x0;
	s0 =	rddreg [dreg:$0x6]  }
0x117: {  	s0 =	sadd.s32 @!p0 $0x100000, s0  }
0x118: {  	[sflag:s0] =	ssyncadd.tile.s32 @!p0 $0x1;
	_ =	shalt  }
.Lfunc_end2:
_tile_overlayer_lowered:
.L_overlay_start_2:
0x119: {  	(tag) =	ssettag $0x2  }
0x11a: {  	s0 =	rddreg [dreg:$0x0];
	s2 =	stileid.u32  }
0x11b: {  	s1 =	rddreg [dreg:$0x1];
	p0 =	sne.s32 s2, $0x0  }
0x11c: {  	s3 =	rddreg [dreg:$0x2];
	[bflag:$0x3] =	sbarrier.arrive $0xFFFF;
	s2 =	simm.s32 @!p0 $0x1C02  }
0x11d: {  	[timem:s3], [sflag:s2] =	dma.local @!p0 [hbm:s0], s1  }
0x11e: {  	s0 =	simm.s32 @!p0 $0x2  }
0x11f: {  	_ =	swait.ge @!p0 [sflag:s0], s1  }
0x120: {  	s1 =	ssub.s32 @!p0 $0x0, s1;
	[sflag:s0] =	ssyncset.done @!p0 $0x0  }
0x121: {  	[sflag:s0] =	ssyncadd.s32 @!p0 s1  }
0x122: {  	[bflag:$0x3] =	sbarrier.arrive $0xFFFF  }
0x123: {  	_ =	shalt  }

</sc_bundles>
